<compile_context>
chip_gen: v7x
topology: tpu7x:2x2x1
jax: 0.10.2.dev20260603
libtpu: 0.0.44.dev20260713+nightly
codegen_flags: <defaults>
</compile_context>

<pallas_src>
import functools

import jax
import jax.numpy as jnp
import numpy as np
from jax import lax
from jax.experimental import pallas as pl
from jax.experimental.pallas import tpu as pltpu
from jax.experimental.pallas import tpu_sc as plsc

S_LEVELS = 24
T_LEVELS = 19
S_TABLE = 2 ** 22
T_TABLE = 2 ** 18
F = 2
SPATIAL_RES = [int(16 * (1.38 ** l)) for l in range(S_LEVELS)]
TEMPORAL_RES = [int(8 * (1.5 ** l)) for l in range(T_LEVELS)]

B = 16384
NC = 2
NS = 16
NW = NC * NS
PTS = B // NW
NG = PTS // 16
S_DIM = 32
NLV = S_LEVELS + T_LEVELS
E_ALL = NLV * F + S_DIM


def _v(val, dtype):
    return jnp.full((16,), val, dtype)


def _enc_body(ct_hbm, sidx_hbm, semb_hbm, stab_hbm, ttab_hbm, res_hbm, ci_hbm,
              feat_hbm,
              cxb, cyb, czb, ctb, sidxb, selb, sbufT, resb, cib,
              idxb, wb, dstb, fbuf):
    wid = lax.axis_index("s") * NC + lax.axis_index("c")
    base = wid * PTS

    pltpu.sync_copy(ct_hbm.at[0, pl.ds(base, PTS)], cxb)
    pltpu.sync_copy(ct_hbm.at[1, pl.ds(base, PTS)], cyb)
    pltpu.sync_copy(ct_hbm.at[2, pl.ds(base, PTS)], czb)
    pltpu.sync_copy(ct_hbm.at[3, pl.ds(base, PTS)], ctb)
    pltpu.sync_copy(sidx_hbm.at[pl.ds(base, PTS)], sidxb)
    pltpu.sync_copy(res_hbm, resb)
    pltpu.sync_copy(ci_hbm, cib)

    iota = lax.broadcasted_iota(jnp.int32, (16,), 0)
    half = iota // 2
    parity = iota % 2
    iota2 = iota * 2
    iotaE = iota * E_ALL
    fidx0 = half * E_ALL + parity

    mask_s = _v(S_TABLE - 1, jnp.uint32)
    mask_t = _v(T_TABLE - 1, jnp.uint32)
    one_u = _v(1, jnp.uint32)
    one_f = _v(1.0, jnp.float32)
    p1 = _v(2654435761, jnp.uint32)
    p2 = _v(805459861, jnp.uint32)

    @pl.loop(0, NG)
    def _sidx(g):
        o = g * 16
        s32 = sidxb[pl.ds(o, 16)] * S_DIM
        for j in range(S_DIM):
            selb[pl.ds(j * PTS + o, 16)] = s32 + j

    pltpu.sync_copy(semb_hbm.at[selb], sbufT)

    @pl.loop(0, NG)
    def _strans(g):
        o = g * 16
        tgt = fbuf.at[pl.ds(o * E_ALL, 16 * E_ALL)]
        for j in range(S_DIM):
            v = sbufT[pl.ds(j * PTS + o, 16)]
            plsc.store_scatter(tgt, [iotaE + (NLV * F + j)], v)

    @pl.loop(0, S_LEVELS)
    def _spatial(l):
        res_v = resb[pl.ds(l * 16, 16)]
        base2_v = cib[pl.ds(l * 16, 16)]
        colv = cib[pl.ds((NLV + l) * 16, 16)]

        @pl.loop(0, NG)
        def _idx(g):
            o = g * 16
            x = cxb[pl.ds(o, 16)] * res_v
            y = cyb[pl.ds(o, 16)] * res_v
            z = czb[pl.ds(o, 16)] * res_v
            xi = x.astype(jnp.uint32)
            yi = y.astype(jnp.uint32)
            zi = z.astype(jnp.uint32)
            wx = x - xi.astype(jnp.float32)
            wy = y - yi.astype(jnp.float32)
            wz = z - zi.astype(jnp.float32)
            axs = (xi, xi + one_u)
            by0 = yi * p1
            bys = (by0, by0 + p1)
            cz0 = zi * p2
            czs = (cz0, cz0 + p2)
            ux = one_f - wx
            uy = one_f - wy
            uz = one_f - wz
            wxy = (ux * uy, wx * uy, ux * wy, wx * wy)
            for c in range(8):
                bx, by_, bz = c & 1, (c >> 1) & 1, (c >> 2) & 1
                h = axs[bx] ^ bys[by_] ^ czs[bz]
                r = h & mask_s
                e0 = (((r >> 7) << 8) + (r & 127)).astype(jnp.int32) + base2_v
                tgt = idxb.at[pl.ds((c * PTS + o) * 2, 32)]
                plsc.store_scatter(tgt, [iota2], e0)
                plsc.store_scatter(tgt, [iota2 + 1], e0 + 128)
                wb[pl.ds(c * PTS + o, 16)] = wxy[bx + 2 * by_] * (wz if bz else uz)

        pltpu.sync_copy(stab_hbm.at[idxb], dstb)

        @pl.loop(0, 2 * NG)
        def _acc(g):
            p8 = g * 8
            acc = jnp.zeros((16,), jnp.float32)
            for c in range(8):
                v = dstb[pl.ds((c * PTS + p8) * 2, 16)]
                w = plsc.load_gather(wb.at[pl.ds(c * PTS + p8, 8)], [half])
                acc = acc + v * w
            plsc.store_scatter(fbuf.at[pl.ds(p8 * E_ALL, 8 * E_ALL)],
                               [fidx0 + colv], acc)

    @pl.loop(0, T_LEVELS)
    def _temporal(l):
        res_v = resb[pl.ds((S_LEVELS + l) * 16, 16)]
        base2_v = cib[pl.ds((S_LEVELS + l) * 16, 16)]
        colv = cib[pl.ds((NLV + S_LEVELS + l) * 16, 16)]

        @pl.loop(0, NG)
        def _idx(g):
            o = g * 16
            x = ctb[pl.ds(o, 16)] * res_v
            i0 = x.astype(jnp.uint32)
            w = x - i0.astype(jnp.float32)
            h0 = i0 * p1
            h1 = h0 + p1
            r0 = h0 & mask_t
            r1 = h1 & mask_t
            e0 = (((r0 >> 7) << 8) + (r0 & 127)).astype(jnp.int32) + base2_v
            e1 = (((r1 >> 7) << 8) + (r1 & 127)).astype(jnp.int32) + base2_v
            tgt = idxb.at[pl.ds(2 * o, 32)]
            plsc.store_scatter(tgt, [iota2], e0)
            plsc.store_scatter(tgt, [iota2 + 1], e0 + 128)
            tgt2 = idxb.at[pl.ds(2 * (PTS + o), 32)]
            plsc.store_scatter(tgt2, [iota2], e1)
            plsc.store_scatter(tgt2, [iota2 + 1], e1 + 128)
            wb[pl.ds(o, 16)] = w

        pltpu.sync_copy(ttab_hbm.at[idxb.at[pl.ds(0, 4 * PTS)]], dstb.at[pl.ds(0, 4 * PTS)])

        @pl.loop(0, 2 * NG)
        def _acc(g):
            p8 = g * 8
            w = plsc.load_gather(wb.at[pl.ds(p8, 8)], [half])
            v0 = dstb[pl.ds(p8 * 2, 16)]
            v1 = dstb[pl.ds((PTS + p8) * 2, 16)]
            plsc.store_scatter(fbuf.at[pl.ds(p8 * E_ALL, 8 * E_ALL)],
                               [fidx0 + colv], v0 * (one_f - w) + v1 * w)

    pltpu.sync_copy(fbuf, feat_hbm.at[pl.ds(base * E_ALL, PTS * E_ALL)])


_encode = functools.partial(
    pl.kernel,
    out_type=jax.ShapeDtypeStruct((B * E_ALL,), jnp.float32),
    mesh=plsc.VectorSubcoreMesh(core_axis_name="c", subcore_axis_name="s"),
    compiler_params=pltpu.CompilerParams(needs_layout_passes=False),
    scratch_types=[
        pltpu.VMEM((PTS,), jnp.float32),
        pltpu.VMEM((PTS,), jnp.float32),
        pltpu.VMEM((PTS,), jnp.float32),
        pltpu.VMEM((PTS,), jnp.float32),
        pltpu.VMEM((PTS,), jnp.int32),
        pltpu.VMEM((S_DIM * PTS,), jnp.int32),
        pltpu.VMEM((S_DIM * PTS,), jnp.float32),
        pltpu.VMEM((NLV * 16,), jnp.float32),
        pltpu.VMEM((2 * NLV * 16,), jnp.int32),
        pltpu.VMEM((8 * PTS * F,), jnp.int32),
        pltpu.VMEM((8 * PTS,), jnp.float32),
        pltpu.VMEM((8 * PTS * F,), jnp.float32),
        pltpu.VMEM((PTS * E_ALL,), jnp.float32),
    ],
)(_enc_body)


def _mlp_body(x_ref, w1_ref, b1_ref, w2_ref, b2_ref, w3_ref, b3_ref, o_ref):
    h = jnp.dot(x_ref[...], w1_ref[...], preferred_element_type=jnp.float32)
    h = jnp.maximum(h + b1_ref[...], 0.0)
    h = jnp.maximum(
        jnp.dot(h, w2_ref[...], preferred_element_type=jnp.float32) + b2_ref[...], 0.0)
    o_ref[...] = jnp.dot(h, w3_ref[...], preferred_element_type=jnp.float32) + b3_ref[...]


_BM = 2048


def _mlp(x, w1, b1, w2, b2, w3, b3):
    grid = (B // _BM,)
    return pl.pallas_call(
        _mlp_body,
        grid=grid,
        in_specs=[
            pl.BlockSpec((_BM, E_ALL), lambda i: (i, 0)),
            pl.BlockSpec((E_ALL, 256), lambda i: (0, 0)),
            pl.BlockSpec((1, 256), lambda i: (0, 0)),
            pl.BlockSpec((256, 128), lambda i: (0, 0)),
            pl.BlockSpec((1, 128), lambda i: (0, 0)),
            pl.BlockSpec((128, 1), lambda i: (0, 0)),
            pl.BlockSpec((1, 1), lambda i: (0, 0)),
        ],
        out_specs=pl.BlockSpec((_BM, 1), lambda i: (i, 0)),
        out_shape=jax.ShapeDtypeStruct((B, 1), jnp.float32),
    )(x, w1, b1, w2, b2, w3, b3)


_RES = np.repeat(np.array(SPATIAL_RES + TEMPORAL_RES, np.float32), 16)
_CI = np.repeat(np.array(
    [2 * l * S_TABLE for l in range(S_LEVELS)]
    + [2 * l * T_TABLE for l in range(T_LEVELS)]
    + [2 * l for l in range(S_LEVELS)]
    + [2 * S_LEVELS + 2 * l for l in range(T_LEVELS)], np.int32), 16)


def kernel(coords, species_idx, species_emb, spatial_tables, temporal_tables,
           W1, b1, W2, b2, W3, b3):
    coords_t = coords.T
    stab = (spatial_tables.reshape(S_LEVELS, S_TABLE // 128, 128, F)
            .transpose(0, 1, 3, 2).reshape(S_LEVELS * S_TABLE * F))
    ttab = (temporal_tables.reshape(T_LEVELS, T_TABLE // 128, 128, F)
            .transpose(0, 1, 3, 2).reshape(T_LEVELS * T_TABLE * F))
    semb = species_emb.reshape(species_emb.shape[0] * S_DIM)
    res = jnp.asarray(_RES)
    ci = jnp.asarray(_CI)
    feat = _encode(coords_t, species_idx, semb, stab, ttab, res, ci)
    x = feat.reshape(B, E_ALL)
    y = _mlp(x, W1, b1.reshape(1, 256), W2, b2.reshape(1, 128),
             W3, b3.reshape(1, 1))
    return y[:, 0]

# --- scband reference (transcript-rebuilt; emitter-appended) ---
"""Pipeline reference for scband-species-aware-lfmcmodel-39178691674697 (READ-ONLY COPY).

The authoritative reference and input builder live on the scoring server;
editing this copy changes nothing except your own understanding.
"""

import jax, jax.numpy as jnp
import numpy as np

S_LEVELS = 24
T_LEVELS = 19
S_TABLE = 2 ** 22
T_TABLE = 2 ** 18
F = 2
SPATIAL_RES = [int(16 * (1.38 ** l)) for l in range(S_LEVELS)]
TEMPORAL_RES = [int(8 * (1.5 ** l)) for l in range(T_LEVELS)]
PRIMES = np.array([1, 2654435761, 805459861], dtype=np.uint32)
CORNERS3 = np.array([[(c >> 0) & 1, (c >> 1) & 1, (c >> 2) & 1] for c in range(8)], dtype=np.uint32)


def _encode3(coords3, res, table):
    x = coords3 * res
    x0f = jnp.floor(x)
    w = x - x0f
    corners = jnp.asarray(CORNERS3)
    c = x0f.astype(jnp.uint32)[:, None, :] + corners[None, :, :]
    p = jnp.asarray(PRIMES)
    h = (c[..., 0] * p[0]) ^ (c[..., 1] * p[1]) ^ (c[..., 2] * p[2])
    idx = (h % jnp.uint32(table.shape[0])).astype(jnp.int32)
    f = table[idx]
    wc = jnp.where(corners[None, :, :] == 1, w[:, None, :], 1.0 - w[:, None, :])
    return (f * wc.prod(-1)[..., None]).sum(1)


def _encode1(t, res, table):
    x = t * res
    x0f = jnp.floor(x)
    w = x - x0f
    i0 = x0f.astype(jnp.uint32)
    T = jnp.uint32(table.shape[0])
    h0 = ((i0 * jnp.uint32(2654435761)) % T).astype(jnp.int32)
    h1 = (((i0 + jnp.uint32(1)) * jnp.uint32(2654435761)) % T).astype(jnp.int32)
    return table[h0] * (1.0 - w)[:, None] + table[h1] * w[:, None]


def earth4d(coords, spatial_tables, temporal_tables):
    xyz = coords[:, :3]
    t = coords[:, 3]
    feats = [_encode3(xyz, SPATIAL_RES[l], spatial_tables[l]) for l in range(S_LEVELS)]
    feats += [_encode1(t, TEMPORAL_RES[l], temporal_tables[l]) for l in range(T_LEVELS)]
    return jnp.concatenate(feats, axis=-1)


def setup_inputs(seed: int = 0):
    key = jax.random.key(seed)
    ks = jax.random.split(key, 12)
    B = 16384
    n_species, species_dim = 100000, 32
    earth_dim = (S_LEVELS + T_LEVELS) * F
    d_in = earth_dim + species_dim
    return {
        "coords": jax.random.uniform(ks[0], (B, 4), dtype=jnp.float32),
        "species_idx": jax.random.randint(ks[1], (B,), 0, n_species, dtype=jnp.int32),
        "species_emb": jax.random.normal(ks[2], (n_species, species_dim), dtype=jnp.float32) * 0.1,
        "spatial_tables": jax.random.uniform(ks[3], (S_LEVELS, S_TABLE, F), dtype=jnp.float32, minval=-0.1, maxval=0.1),
        "temporal_tables": jax.random.uniform(ks[4], (T_LEVELS, T_TABLE, F), dtype=jnp.float32, minval=-0.1, maxval=0.1),
        "W1": jax.random.normal(ks[5], (d_in, 256), dtype=jnp.float32) * 0.05,
        "b1": jnp.zeros((256,), dtype=jnp.float32),
        "W2": jax.random.normal(ks[6], (256, 128), dtype=jnp.float32) * 0.05,
        "b2": jnp.zeros((128,), dtype=jnp.float32),
        "W3": jax.random.normal(ks[7], (128, 1), dtype=jnp.float32) * 0.05,
        "b3": jnp.zeros((1,), dtype=jnp.float32),
    }


def reference(coords, species_idx, species_emb, spatial_tables, temporal_tables, W1, b1, W2, b2, W3, b3):
    e = earth4d(coords, spatial_tables, temporal_tables)
    s = jnp.take(species_emb, species_idx, axis=0)
    h = jnp.concatenate([e, s], axis=-1)
    h = jax.nn.relu(h @ W1 + b1)
    h = jax.nn.relu(h @ W2 + b2)
    return (h @ W3 + b3).squeeze(-1)

if __name__ == "__main__":
    import jax
    _d = setup_inputs()
    print(jax.jit(kernel)(*tuple(_d.values())))

</pallas_src>

<mosaic_0001>
#map = affine_map<(d0, d1) -> (0, 0)>
#map1 = affine_map<(d0, d1) -> (0)>
module attributes {stable_mosaic.version = 14 : i64} {
  func.func @_enc_body(%arg0: i32, %arg1: i32, %arg2: memref<4x16384xf32, #tpu.memory_space<hbm>>, %arg3: memref<16384xi32, #tpu.memory_space<hbm>>, %arg4: memref<3200000xf32, #tpu.memory_space<hbm>>, %arg5: memref<201326592xf32, #tpu.memory_space<hbm>>, %arg6: memref<9961472xf32, #tpu.memory_space<hbm>>, %arg7: memref<688xf32, #tpu.memory_space<hbm>>, %arg8: memref<1376xi32, #tpu.memory_space<hbm>>, %arg9: memref<1933312xf32, #tpu.memory_space<hbm>>, %arg10: memref<512xf32, #tpu.memory_space<vmem>>, %arg11: memref<512xf32, #tpu.memory_space<vmem>>, %arg12: memref<512xf32, #tpu.memory_space<vmem>>, %arg13: memref<512xf32, #tpu.memory_space<vmem>>, %arg14: memref<512xi32, #tpu.memory_space<vmem>>, %arg15: memref<16384xi32, #tpu.memory_space<vmem>>, %arg16: memref<16384xf32, #tpu.memory_space<vmem>>, %arg17: memref<688xf32, #tpu.memory_space<vmem>>, %arg18: memref<1376xi32, #tpu.memory_space<vmem>>, %arg19: memref<8192xi32, #tpu.memory_space<vmem>>, %arg20: memref<4096xf32, #tpu.memory_space<vmem>>, %arg21: memref<8192xf32, #tpu.memory_space<vmem>>, %arg22: memref<60416xf32, #tpu.memory_space<vmem>>) attributes {dimension_semantics = [#tpu.dimension_semantics<core_parallel>, #tpu.dimension_semantics<subcore_parallel>], iteration_bounds = array<i64: 2, 16>, scalar_prefetch = 0 : i64, scratch_operands = 13 : i64, tpu.core_type = #tpu.core_type<sc_vector_subcore>, window_params = [{transform_indices = #map}, {transform_indices = #map1}, {transform_indices = #map1}, {transform_indices = #map1}, {transform_indices = #map1}, {transform_indices = #map1}, {transform_indices = #map1}, {transform_indices = #map1}]} {
    %mul3A = arith.constant 2 : i32
    %mul3A_0 = arith.muli %arg1, %mul3A : i32
    %add3A = arith.addi %mul3A_0, %arg0 : i32
    %mul3A_1 = arith.constant 512 : i32
    %mul3A_2 = arith.muli %add3A, %mul3A_1 : i32
    %run_scoped3A = arith.constant 0 : i32
    "tpu.region"() ({
      %run_scoped3A_91 = tpu.sem_alloc : memref<!tpu.dma_semaphore, #tpu.memory_space<semaphore_mem>>
      %dma_start3A = tpu.memref_slice %arg2[%run_scoped3A, %mul3A_2] : memref<4x16384xf32, #tpu.memory_space<hbm>> -> memref<1x512xf32, #tpu.memory_space<hbm>>
      %dma_start3A_92 = tpu.memref_squeeze %dma_start3A : memref<1x512xf32, #tpu.memory_space<hbm>> -> memref<512xf32, #tpu.memory_space<hbm>>
      %dma_start3A_93 = tpu.memref_slice %arg2[%run_scoped3A, %mul3A_2] : memref<4x16384xf32, #tpu.memory_space<hbm>> -> memref<1x512xf32, #tpu.memory_space<hbm>>
      %dma_start3A_94 = tpu.memref_squeeze %dma_start3A_93 : memref<1x512xf32, #tpu.memory_space<hbm>> -> memref<512xf32, #tpu.memory_space<hbm>>
      tpu.enqueue_dma source(%dma_start3A_94 : memref<512xf32, #tpu.memory_space<hbm>>) target(%arg10 : memref<512xf32, #tpu.memory_space<vmem>>) target_semaphore(%run_scoped3A_91 : memref<!tpu.dma_semaphore, #tpu.memory_space<semaphore_mem>>)
      %dma_wait3A = tpu.memref_slice %arg2[%run_scoped3A, %mul3A_2] : memref<4x16384xf32, #tpu.memory_space<hbm>> -> memref<1x512xf32, #tpu.memory_space<hbm>>
      %dma_wait3A_95 = tpu.memref_squeeze %dma_wait3A : memref<1x512xf32, #tpu.memory_space<hbm>> -> memref<512xf32, #tpu.memory_space<hbm>>
      %dma_wait3A_96 = tpu.memref_slice %arg2[%run_scoped3A, %mul3A_2] : memref<4x16384xf32, #tpu.memory_space<hbm>> -> memref<1x512xf32, #tpu.memory_space<hbm>>
      %dma_wait3A_97 = tpu.memref_squeeze %dma_wait3A_96 : memref<1x512xf32, #tpu.memory_space<hbm>> -> memref<512xf32, #tpu.memory_space<hbm>>
      tpu.wait_dma2 semaphore(%run_scoped3A_91 : memref<!tpu.dma_semaphore, #tpu.memory_space<semaphore_mem>>) src(%dma_wait3A_97 : memref<512xf32, #tpu.memory_space<hbm>>) dst(%arg10 : memref<512xf32, #tpu.memory_space<vmem>>)
      tpu.yield
    }) : () -> ()
    %run_scoped3A_3 = arith.constant 1 : i32
    "tpu.region"() ({
      %run_scoped3A_91 = tpu.sem_alloc : memref<!tpu.dma_semaphore, #tpu.memory_space<semaphore_mem>>
      %dma_start3A = tpu.memref_slice %arg2[%run_scoped3A_3, %mul3A_2] : memref<4x16384xf32, #tpu.memory_space<hbm>> -> memref<1x512xf32, #tpu.memory_space<hbm>>
      %dma_start3A_92 = tpu.memref_squeeze %dma_start3A : memref<1x512xf32, #tpu.memory_space<hbm>> -> memref<512xf32, #tpu.memory_space<hbm>>
      %dma_start3A_93 = tpu.memref_slice %arg2[%run_scoped3A_3, %mul3A_2] : memref<4x16384xf32, #tpu.memory_space<hbm>> -> memref<1x512xf32, #tpu.memory_space<hbm>>
      %dma_start3A_94 = tpu.memref_squeeze %dma_start3A_93 : memref<1x512xf32, #tpu.memory_space<hbm>> -> memref<512xf32, #tpu.memory_space<hbm>>
      tpu.enqueue_dma source(%dma_start3A_94 : memref<512xf32, #tpu.memory_space<hbm>>) target(%arg11 : memref<512xf32, #tpu.memory_space<vmem>>) target_semaphore(%run_scoped3A_91 : memref<!tpu.dma_semaphore, #tpu.memory_space<semaphore_mem>>)
      %dma_wait3A = tpu.memref_slice %arg2[%run_scoped3A_3, %mul3A_2] : memref<4x16384xf32, #tpu.memory_space<hbm>> -> memref<1x512xf32, #tpu.memory_space<hbm>>
      %dma_wait3A_95 = tpu.memref_squeeze %dma_wait3A : memref<1x512xf32, #tpu.memory_space<hbm>> -> memref<512xf32, #tpu.memory_space<hbm>>
      %dma_wait3A_96 = tpu.memref_slice %arg2[%run_scoped3A_3, %mul3A_2] : memref<4x16384xf32, #tpu.memory_space<hbm>> -> memref<1x512xf32, #tpu.memory_space<hbm>>
      %dma_wait3A_97 = tpu.memref_squeeze %dma_wait3A_96 : memref<1x512xf32, #tpu.memory_space<hbm>> -> memref<512xf32, #tpu.memory_space<hbm>>
      tpu.wait_dma2 semaphore(%run_scoped3A_91 : memref<!tpu.dma_semaphore, #tpu.memory_space<semaphore_mem>>) src(%dma_wait3A_97 : memref<512xf32, #tpu.memory_space<hbm>>) dst(%arg11 : memref<512xf32, #tpu.memory_space<vmem>>)
      tpu.yield
    }) : () -> ()
    %run_scoped3A_4 = arith.constant 2 : i32
    "tpu.region"() ({
      %run_scoped3A_91 = tpu.sem_alloc : memref<!tpu.dma_semaphore, #tpu.memory_space<semaphore_mem>>
      %dma_start3A = tpu.memref_slice %arg2[%run_scoped3A_4, %mul3A_2] : memref<4x16384xf32, #tpu.memory_space<hbm>> -> memref<1x512xf32, #tpu.memory_space<hbm>>
      %dma_start3A_92 = tpu.memref_squeeze %dma_start3A : memref<1x512xf32, #tpu.memory_space<hbm>> -> memref<512xf32, #tpu.memory_space<hbm>>
      %dma_start3A_93 = tpu.memref_slice %arg2[%run_scoped3A_4, %mul3A_2] : memref<4x16384xf32, #tpu.memory_space<hbm>> -> memref<1x512xf32, #tpu.memory_space<hbm>>
      %dma_start3A_94 = tpu.memref_squeeze %dma_start3A_93 : memref<1x512xf32, #tpu.memory_space<hbm>> -> memref<512xf32, #tpu.memory_space<hbm>>
      tpu.enqueue_dma source(%dma_start3A_94 : memref<512xf32, #tpu.memory_space<hbm>>) target(%arg12 : memref<512xf32, #tpu.memory_space<vmem>>) target_semaphore(%run_scoped3A_91 : memref<!tpu.dma_semaphore, #tpu.memory_space<semaphore_mem>>)
      %dma_wait3A = tpu.memref_slice %arg2[%run_scoped3A_4, %mul3A_2] : memref<4x16384xf32, #tpu.memory_space<hbm>> -> memref<1x512xf32, #tpu.memory_space<hbm>>
      %dma_wait3A_95 = tpu.memref_squeeze %dma_wait3A : memref<1x512xf32, #tpu.memory_space<hbm>> -> memref<512xf32, #tpu.memory_space<hbm>>
      %dma_wait3A_96 = tpu.memref_slice %arg2[%run_scoped3A_4, %mul3A_2] : memref<4x16384xf32, #tpu.memory_space<hbm>> -> memref<1x512xf32, #tpu.memory_space<hbm>>
      %dma_wait3A_97 = tpu.memref_squeeze %dma_wait3A_96 : memref<1x512xf32, #tpu.memory_space<hbm>> -> memref<512xf32, #tpu.memory_space<hbm>>
      tpu.wait_dma2 semaphore(%run_scoped3A_91 : memref<!tpu.dma_semaphore, #tpu.memory_space<semaphore_mem>>) src(%dma_wait3A_97 : memref<512xf32, #tpu.memory_space<hbm>>) dst(%arg12 : memref<512xf32, #tpu.memory_space<vmem>>)
      tpu.yield
    }) : () -> ()
    %run_scoped3A_5 = arith.constant 3 : i32
    "tpu.region"() ({
      %run_scoped3A_91 = tpu.sem_alloc : memref<!tpu.dma_semaphore, #tpu.memory_space<semaphore_mem>>
      %dma_start3A = tpu.memref_slice %arg2[%run_scoped3A_5, %mul3A_2] : memref<4x16384xf32, #tpu.memory_space<hbm>> -> memref<1x512xf32, #tpu.memory_space<hbm>>
      %dma_start3A_92 = tpu.memref_squeeze %dma_start3A : memref<1x512xf32, #tpu.memory_space<hbm>> -> memref<512xf32, #tpu.memory_space<hbm>>
      %dma_start3A_93 = tpu.memref_slice %arg2[%run_scoped3A_5, %mul3A_2] : memref<4x16384xf32, #tpu.memory_space<hbm>> -> memref<1x512xf32, #tpu.memory_space<hbm>>
      %dma_start3A_94 = tpu.memref_squeeze %dma_start3A_93 : memref<1x512xf32, #tpu.memory_space<hbm>> -> memref<512xf32, #tpu.memory_space<hbm>>
      tpu.enqueue_dma source(%dma_start3A_94 : memref<512xf32, #tpu.memory_space<hbm>>) target(%arg13 : memref<512xf32, #tpu.memory_space<vmem>>) target_semaphore(%run_scoped3A_91 : memref<!tpu.dma_semaphore, #tpu.memory_space<semaphore_mem>>)
      %dma_wait3A = tpu.memref_slice %arg2[%run_scoped3A_5, %mul3A_2] : memref<4x16384xf32, #tpu.memory_space<hbm>> -> memref<1x512xf32, #tpu.memory_space<hbm>>
      %dma_wait3A_95 = tpu.memref_squeeze %dma_wait3A : memref<1x512xf32, #tpu.memory_space<hbm>> -> memref<512xf32, #tpu.memory_space<hbm>>
      %dma_wait3A_96 = tpu.memref_slice %arg2[%run_scoped3A_5, %mul3A_2] : memref<4x16384xf32, #tpu.memory_space<hbm>> -> memref<1x512xf32, #tpu.memory_space<hbm>>
      %dma_wait3A_97 = tpu.memref_squeeze %dma_wait3A_96 : memref<1x512xf32, #tpu.memory_space<hbm>> -> memref<512xf32, #tpu.memory_space<hbm>>
      tpu.wait_dma2 semaphore(%run_scoped3A_91 : memref<!tpu.dma_semaphore, #tpu.memory_space<semaphore_mem>>) src(%dma_wait3A_97 : memref<512xf32, #tpu.memory_space<hbm>>) dst(%arg13 : memref<512xf32, #tpu.memory_space<vmem>>)
      tpu.yield
    }) : () -> ()
    "tpu.region"() ({
      %run_scoped3A_91 = tpu.sem_alloc : memref<!tpu.dma_semaphore, #tpu.memory_space<semaphore_mem>>
      %dma_start3A = tpu.memref_slice %arg3[%mul3A_2] : memref<16384xi32, #tpu.memory_space<hbm>> -> memref<512xi32, #tpu.memory_space<hbm>>
      %dma_start3A_92 = tpu.memref_slice %arg3[%mul3A_2] : memref<16384xi32, #tpu.memory_space<hbm>> -> memref<512xi32, #tpu.memory_space<hbm>>
      tpu.enqueue_dma source(%dma_start3A_92 : memref<512xi32, #tpu.memory_space<hbm>>) target(%arg14 : memref<512xi32, #tpu.memory_space<vmem>>) target_semaphore(%run_scoped3A_91 : memref<!tpu.dma_semaphore, #tpu.memory_space<semaphore_mem>>)
      %dma_wait3A = tpu.memref_slice %arg3[%mul3A_2] : memref<16384xi32, #tpu.memory_space<hbm>> -> memref<512xi32, #tpu.memory_space<hbm>>
      %dma_wait3A_93 = tpu.memref_slice %arg3[%mul3A_2] : memref<16384xi32, #tpu.memory_space<hbm>> -> memref<512xi32, #tpu.memory_space<hbm>>
      tpu.wait_dma2 semaphore(%run_scoped3A_91 : memref<!tpu.dma_semaphore, #tpu.memory_space<semaphore_mem>>) src(%dma_wait3A_93 : memref<512xi32, #tpu.memory_space<hbm>>) dst(%arg14 : memref<512xi32, #tpu.memory_space<vmem>>)
      tpu.yield
    }) : () -> ()
    "tpu.region"() ({
      %run_scoped3A_91 = tpu.sem_alloc : memref<!tpu.dma_semaphore, #tpu.memory_space<semaphore_mem>>
      tpu.enqueue_dma source(%arg7 : memref<688xf32, #tpu.memory_space<hbm>>) target(%arg17 : memref<688xf32, #tpu.memory_space<vmem>>) target_semaphore(%run_scoped3A_91 : memref<!tpu.dma_semaphore, #tpu.memory_space<semaphore_mem>>)
      tpu.wait_dma2 semaphore(%run_scoped3A_91 : memref<!tpu.dma_semaphore, #tpu.memory_space<semaphore_mem>>) src(%arg7 : memref<688xf32, #tpu.memory_space<hbm>>) dst(%arg17 : memref<688xf32, #tpu.memory_space<vmem>>)
      tpu.yield
    }) : () -> ()
    "tpu.region"() ({
      %run_scoped3A_91 = tpu.sem_alloc : memref<!tpu.dma_semaphore, #tpu.memory_space<semaphore_mem>>
      tpu.enqueue_dma source(%arg8 : memref<1376xi32, #tpu.memory_space<hbm>>) target(%arg18 : memref<1376xi32, #tpu.memory_space<vmem>>) target_semaphore(%run_scoped3A_91 : memref<!tpu.dma_semaphore, #tpu.memory_space<semaphore_mem>>)
      tpu.wait_dma2 semaphore(%run_scoped3A_91 : memref<!tpu.dma_semaphore, #tpu.memory_space<semaphore_mem>>) src(%arg8 : memref<1376xi32, #tpu.memory_space<hbm>>) dst(%arg18 : memref<1376xi32, #tpu.memory_space<vmem>>)
      tpu.yield
    }) : () -> ()
    %iota3A = tpu.iota {dimensions = array<i32: 0>} : vector<16xi32>
    %jit3A = arith.constant 2 : i32
    %div3A = vector.broadcast %jit3A : i32 to vector<16xi32>
    %div3A_6 = arith.divsi %iota3A, %div3A : vector<16xi32>
    %sign3A = arith.constant 0 : i32
    %sign3A_7 = vector.broadcast %sign3A : i32 to vector<16xi32>
    %sign3A_8 = arith.cmpi sgt, %iota3A, %sign3A_7 : vector<16xi32>
    %sign3A_9 = arith.extui %sign3A_8 : vector<16xi1> to vector<16xi32>
    %sign3A_10 = arith.constant 0 : i32
    %sign3A_11 = vector.broadcast %sign3A_10 : i32 to vector<16xi32>
    %sign3A_12 = arith.cmpi slt, %iota3A, %sign3A_11 : vector<16xi32>
    %sign3A_13 = arith.extui %sign3A_12 : vector<16xi1> to vector<16xi32>
    %sign3A_14 = arith.subi %sign3A_9, %sign3A_13 : vector<16xi32>
    %sign3A_15 = arith.constant 0 : i32
    %sign3A_16 = arith.cmpi sgt, %jit3A, %sign3A_15 : i32
    %sign3A_17 = arith.extui %sign3A_16 : i1 to i32
    %sign3A_18 = arith.constant 0 : i32
    %sign3A_19 = arith.cmpi slt, %jit3A, %sign3A_18 : i32
    %sign3A_20 = arith.extui %sign3A_19 : i1 to i32
    %sign3A_21 = arith.subi %sign3A_17, %sign3A_20 : i32
    %ne3A = vector.broadcast %sign3A_21 : i32 to vector<16xi32>
    %ne3A_22 = arith.cmpi ne, %sign3A_14, %ne3A : vector<16xi32>
    %rem3A = vector.broadcast %jit3A : i32 to vector<16xi32>
    %rem3A_23 = arith.remsi %iota3A, %rem3A : vector<16xi32>
    %ne3A_24 = arith.constant 0 : i32
    %ne3A_25 = vector.broadcast %ne3A_24 : i32 to vector<16xi32>
    %ne3A_26 = arith.cmpi ne, %rem3A_23, %ne3A_25 : vector<16xi32>
    %and3A = arith.andi %ne3A_22, %ne3A_26 : vector<16xi1>
    %sub3A = arith.constant 1 : i32
    %sub3A_27 = vector.broadcast %sub3A : i32 to vector<16xi32>
    %sub3A_28 = arith.subi %div3A_6, %sub3A_27 : vector<16xi32>
    %select_n3A = arith.select %and3A, %sub3A_28, %div3A_6 : vector<16xi1>, vector<16xi32>
    %jit3A_29 = arith.constant 2 : i32
    %eq3A = arith.constant 0 : i32
    %eq3A_30 = arith.cmpi eq, %jit3A_29, %eq3A : i32
    %jit3A_31 = arith.constant 1 : i32
    %select_n3A_32 = arith.select %eq3A_30, %jit3A_31, %jit3A_29 : i32
    %rem3A_33 = vector.broadcast %select_n3A_32 : i32 to vector<16xi32>
    %rem3A_34 = arith.remsi %iota3A, %rem3A_33 : vector<16xi32>
    %ne3A_35 = arith.constant 0 : i32
    %ne3A_36 = vector.broadcast %ne3A_35 : i32 to vector<16xi32>
    %ne3A_37 = arith.cmpi ne, %rem3A_34, %ne3A_36 : vector<16xi32>
    %lt3A = arith.constant 0 : i32
    %lt3A_38 = vector.broadcast %lt3A : i32 to vector<16xi32>
    %lt3A_39 = arith.cmpi slt, %rem3A_34, %lt3A_38 : vector<16xi32>
    %lt3A_40 = arith.constant 0 : i32
    %lt3A_41 = arith.cmpi slt, %select_n3A_32, %lt3A_40 : i32
    %ne3A_42 = vector.broadcast %lt3A_41 : i1 to vector<16xi1>
    %ne3A_43 = vector.broadcast %ne3A_42 : vector<16xi1> to vector<16xi1>
    %ne3A_44 = arith.xori %lt3A_39, %ne3A_43 : vector<16xi1>
    %and3A_45 = arith.andi %ne3A_44, %ne3A_37 : vector<16xi1>
    %add3A_46 = vector.broadcast %select_n3A_32 : i32 to vector<16xi32>
    %add3A_47 = arith.addi %rem3A_34, %add3A_46 : vector<16xi32>
    %select_n3A_48 = arith.select %and3A_45, %add3A_47, %rem3A_34 : vector<16xi1>, vector<16xi32>
    %mul3A_49 = arith.constant 2 : i32
    %mul3A_50 = vector.broadcast %mul3A_49 : i32 to vector<16xi32>
    %mul3A_51 = arith.muli %iota3A, %mul3A_50 : vector<16xi32>
    %mul3A_52 = arith.constant 118 : i32
    %mul3A_53 = vector.broadcast %mul3A_52 : i32 to vector<16xi32>
    %mul3A_54 = arith.muli %iota3A, %mul3A_53 : vector<16xi32>
    %mul3A_55 = arith.constant 118 : i32
    %mul3A_56 = vector.broadcast %mul3A_55 : i32 to vector<16xi32>
    %mul3A_57 = arith.muli %select_n3A, %mul3A_56 : vector<16xi32>
    %add3A_58 = arith.addi %mul3A_57, %select_n3A_48 : vector<16xi32>
    %broadcast_in_dim3A = arith.constant 4194303 : i32
    %broadcast_in_dim3A_59 = vector.broadcast %broadcast_in_dim3A : i32 to vector<16xi32>
    %broadcast_in_dim3A_60 = arith.constant 262143 : i32
    %broadcast_in_dim3A_61 = vector.broadcast %broadcast_in_dim3A_60 : i32 to vector<16xi32>
    %broadcast_in_dim3A_62 = arith.constant 1 : i32
    %broadcast_in_dim3A_63 = vector.broadcast %broadcast_in_dim3A_62 : i32 to vector<16xi32>
    %broadcast_in_dim3A_64 = arith.constant 1.000000e+00 : f32
    %broadcast_in_dim3A_65 = vector.broadcast %broadcast_in_dim3A_64 : f32 to vector<16xf32>
    %broadcast_in_dim3A_66 = arith.constant -1640531535 : i32
    %broadcast_in_dim3A_67 = vector.broadcast %broadcast_in_dim3A_66 : i32 to vector<16xi32>
    %broadcast_in_dim3A_68 = arith.constant 805459861 : i32
    %broadcast_in_dim3A_69 = vector.broadcast %broadcast_in_dim3A_68 : i32 to vector<16xi32>
    %scan3A = arith.constant 0 : i32
    %scan3A_70 = arith.constant 32 : i32
    %scan3A_71 = arith.addi %scan3A, %scan3A_70 : i32
    %scan3A_72 = arith.constant 1 : i32
    scf.for %scan3A_91 = %scan3A to %scan3A_71 step %scan3A_72  : i32 {
      %mul3A_92 = arith.constant 1 : i32
      %mul3A_93 = arith.muli %scan3A_91, %mul3A_92 : i32
      %add3A_94 = arith.constant 0 : i32
      %add3A_95 = arith.addi %add3A_94, %mul3A_93 : i32
      %mul3A_96 = arith.constant 16 : i32
      %mul3A_97 = arith.muli %add3A_95, %mul3A_96 : i32
      %get3A = arith.index_cast %mul3A_97 : i32 to index
      %get3A_98 = tpu.vector_load %arg14[%get3A] {strides = array<i32>} : memref<512xi32, #tpu.memory_space<vmem>>, vector<16xi32>,
      %mul3A_99 = arith.constant 32 : i32
      %mul3A_100 = vector.broadcast %mul3A_99 : i32 to vector<16xi32>
      %mul3A_101 = arith.muli %get3A_98, %mul3A_100 : vector<16xi32>
      %add3A_102 = arith.constant 0 : i32
      %add3A_103 = vector.broadcast %add3A_102 : i32 to vector<16xi32>
      %add3A_104 = arith.addi %mul3A_101, %add3A_103 : vector<16xi32>
      %add3A_105 = arith.constant 0 : i32
      %add3A_106 = arith.addi %add3A_105, %mul3A_97 : i32
      %swap3A = arith.index_cast %add3A_106 : i32 to index
      %swap3A_107 = tpu.vector_load %arg15[%swap3A] {strides = array<i32>} : memref<16384xi32, #tpu.memory_space<vmem>>, vector<16xi32>,
      tpu.vector_store %arg15[%swap3A], %add3A_104 {strides = array<i32>} : memref<16384xi32, #tpu.memory_space<vmem>>, vector<16xi32>,
      %add3A_108 = arith.constant 1 : i32
      %add3A_109 = vector.broadcast %add3A_108 : i32 to vector<16xi32>
      %add3A_110 = arith.addi %mul3A_101, %add3A_109 : vector<16xi32>
      %add3A_111 = arith.constant 512 : i32
      %add3A_112 = arith.addi %add3A_111, %mul3A_97 : i32
      %swap3A_113 = arith.index_cast %add3A_112 : i32 to index
      %swap3A_114 = tpu.vector_load %arg15[%swap3A_113] {strides = array<i32>} : memref<16384xi32, #tpu.memory_space<vmem>>, vector<16xi32>,
      tpu.vector_store %arg15[%swap3A_113], %add3A_110 {strides = array<i32>} : memref<16384xi32, #tpu.memory_space<vmem>>, vector<16xi32>,
      %add3A_115 = arith.constant 2 : i32
      %add3A_116 = vector.broadcast %add3A_115 : i32 to vector<16xi32>
      %add3A_117 = arith.addi %mul3A_101, %add3A_116 : vector<16xi32>
      %add3A_118 = arith.constant 1024 : i32
      %add3A_119 = arith.addi %add3A_118, %mul3A_97 : i32
      %swap3A_120 = arith.index_cast %add3A_119 : i32 to index
      %swap3A_121 = tpu.vector_load %arg15[%swap3A_120] {strides = array<i32>} : memref<16384xi32, #tpu.memory_space<vmem>>, vector<16xi32>,
      tpu.vector_store %arg15[%swap3A_120], %add3A_117 {strides = array<i32>} : memref<16384xi32, #tpu.memory_space<vmem>>, vector<16xi32>,
      %add3A_122 = arith.constant 3 : i32
      %add3A_123 = vector.broadcast %add3A_122 : i32 to vector<16xi32>
      %add3A_124 = arith.addi %mul3A_101, %add3A_123 : vector<16xi32>
      %add3A_125 = arith.constant 1536 : i32
      %add3A_126 = arith.addi %add3A_125, %mul3A_97 : i32
      %swap3A_127 = arith.index_cast %add3A_126 : i32 to index
      %swap3A_128 = tpu.vector_load %arg15[%swap3A_127] {strides = array<i32>} : memref<16384xi32, #tpu.memory_space<vmem>>, vector<16xi32>,
      tpu.vector_store %arg15[%swap3A_127], %add3A_124 {strides = array<i32>} : memref<16384xi32, #tpu.memory_space<vmem>>, vector<16xi32>,
      %add3A_129 = arith.constant 4 : i32
      %add3A_130 = vector.broadcast %add3A_129 : i32 to vector<16xi32>
      %add3A_131 = arith.addi %mul3A_101, %add3A_130 : vector<16xi32>
      %add3A_132 = arith.constant 2048 : i32
      %add3A_133 = arith.addi %add3A_132, %mul3A_97 : i32
      %swap3A_134 = arith.index_cast %add3A_133 : i32 to index
      %swap3A_135 = tpu.vector_load %arg15[%swap3A_134] {strides = array<i32>} : memref<16384xi32, #tpu.memory_space<vmem>>, vector<16xi32>,
      tpu.vector_store %arg15[%swap3A_134], %add3A_131 {strides = array<i32>} : memref<16384xi32, #tpu.memory_space<vmem>>, vector<16xi32>,
      %add3A_136 = arith.constant 5 : i32
      %add3A_137 = vector.broadcast %add3A_136 : i32 to vector<16xi32>
      %add3A_138 = arith.addi %mul3A_101, %add3A_137 : vector<16xi32>
      %add3A_139 = arith.constant 2560 : i32
      %add3A_140 = arith.addi %add3A_139, %mul3A_97 : i32
      %swap3A_141 = arith.index_cast %add3A_140 : i32 to index
      %swap3A_142 = tpu.vector_load %arg15[%swap3A_141] {strides = array<i32>} : memref<16384xi32, #tpu.memory_space<vmem>>, vector<16xi32>,
      tpu.vector_store %arg15[%swap3A_141], %add3A_138 {strides = array<i32>} : memref<16384xi32, #tpu.memory_space<vmem>>, vector<16xi32>,
      %add3A_143 = arith.constant 6 : i32
      %add3A_144 = vector.broadcast %add3A_143 : i32 to vector<16xi32>
      %add3A_145 = arith.addi %mul3A_101, %add3A_144 : vector<16xi32>
      %add3A_146 = arith.constant 3072 : i32
      %add3A_147 = arith.addi %add3A_146, %mul3A_97 : i32
      %swap3A_148 = arith.index_cast %add3A_147 : i32 to index
      %swap3A_149 = tpu.vector_load %arg15[%swap3A_148] {strides = array<i32>} : memref<16384xi32, #tpu.memory_space<vmem>>, vector<16xi32>,
      tpu.vector_store %arg15[%swap3A_148], %add3A_145 {strides = array<i32>} : memref<16384xi32, #tpu.memory_space<vmem>>, vector<16xi32>,
      %add3A_150 = arith.constant 7 : i32
      %add3A_151 = vector.broadcast %add3A_150 : i32 to vector<16xi32>
      %add3A_152 = arith.addi %mul3A_101, %add3A_151 : vector<16xi32>
      %add3A_153 = arith.constant 3584 : i32
      %add3A_154 = arith.addi %add3A_153, %mul3A_97 : i32
      %swap3A_155 = arith.index_cast %add3A_154 : i32 to index
      %swap3A_156 = tpu.vector_load %arg15[%swap3A_155] {strides = array<i32>} : memref<16384xi32, #tpu.memory_space<vmem>>, vector<16xi32>,
      tpu.vector_store %arg15[%swap3A_155], %add3A_152 {strides = array<i32>} : memref<16384xi32, #tpu.memory_space<vmem>>, vector<16xi32>,
      %add3A_157 = arith.constant 8 : i32
      %add3A_158 = vector.broadcast %add3A_157 : i32 to vector<16xi32>
      %add3A_159 = arith.addi %mul3A_101, %add3A_158 : vector<16xi32>
      %add3A_160 = arith.constant 4096 : i32
      %add3A_161 = arith.addi %add3A_160, %mul3A_97 : i32
      %swap3A_162 = arith.index_cast %add3A_161 : i32 to index
      %swap3A_163 = tpu.vector_load %arg15[%swap3A_162] {strides = array<i32>} : memref<16384xi32, #tpu.memory_space<vmem>>, vector<16xi32>,
      tpu.vector_store %arg15[%swap3A_162], %add3A_159 {strides = array<i32>} : memref<16384xi32, #tpu.memory_space<vmem>>, vector<16xi32>,
      %add3A_164 = arith.constant 9 : i32
      %add3A_165 = vector.broadcast %add3A_164 : i32 to vector<16xi32>
      %add3A_166 = arith.addi %mul3A_101, %add3A_165 : vector<16xi32>
      %add3A_167 = arith.constant 4608 : i32
      %add3A_168 = arith.addi %add3A_167, %mul3A_97 : i32
      %swap3A_169 = arith.index_cast %add3A_168 : i32 to index
      %swap3A_170 = tpu.vector_load %arg15[%swap3A_169] {strides = array<i32>} : memref<16384xi32, #tpu.memory_space<vmem>>, vector<16xi32>,
      tpu.vector_store %arg15[%swap3A_169], %add3A_166 {strides = array<i32>} : memref<16384xi32, #tpu.memory_space<vmem>>, vector<16xi32>,
      %add3A_171 = arith.constant 10 : i32
      %add3A_172 = vector.broadcast %add3A_171 : i32 to vector<16xi32>
      %add3A_173 = arith.addi %mul3A_101, %add3A_172 : vector<16xi32>
      %add3A_174 = arith.constant 5120 : i32
      %add3A_175 = arith.addi %add3A_174, %mul3A_97 : i32
      %swap3A_176 = arith.index_cast %add3A_175 : i32 to index
      %swap3A_177 = tpu.vector_load %arg15[%swap3A_176] {strides = array<i32>} : memref<16384xi32, #tpu.memory_space<vmem>>, vector<16xi32>,
      tpu.vector_store %arg15[%swap3A_176], %add3A_173 {strides = array<i32>} : memref<16384xi32, #tpu.memory_space<vmem>>, vector<16xi32>,
      %add3A_178 = arith.constant 11 : i32
      %add3A_179 = vector.broadcast %add3A_178 : i32 to vector<16xi32>
      %add3A_180 = arith.addi %mul3A_101, %add3A_179 : vector<16xi32>
      %add3A_181 = arith.constant 5632 : i32
      %add3A_182 = arith.addi %add3A_181, %mul3A_97 : i32
      %swap3A_183 = arith.index_cast %add3A_182 : i32 to index
      %swap3A_184 = tpu.vector_load %arg15[%swap3A_183] {strides = array<i32>} : memref<16384xi32, #tpu.memory_space<vmem>>, vector<16xi32>,
      tpu.vector_store %arg15[%swap3A_183], %add3A_180 {strides = array<i32>} : memref<16384xi32, #tpu.memory_space<vmem>>, vector<16xi32>,
      %add3A_185 = arith.constant 12 : i32
      %add3A_186 = vector.broadcast %add3A_185 : i32 to vector<16xi32>
      %add3A_187 = arith.addi %mul3A_101, %add3A_186 : vector<16xi32>
      %add3A_188 = arith.constant 6144 : i32
      %add3A_189 = arith.addi %add3A_188, %mul3A_97 : i32
      %swap3A_190 = arith.index_cast %add3A_189 : i32 to index
      %swap3A_191 = tpu.vector_load %arg15[%swap3A_190] {strides = array<i32>} : memref<16384xi32, #tpu.memory_space<vmem>>, vector<16xi32>,
      tpu.vector_store %arg15[%swap3A_190], %add3A_187 {strides = array<i32>} : memref<16384xi32, #tpu.memory_space<vmem>>, vector<16xi32>,
      %add3A_192 = arith.constant 13 : i32
      %add3A_193 = vector.broadcast %add3A_192 : i32 to vector<16xi32>
      %add3A_194 = arith.addi %mul3A_101, %add3A_193 : vector<16xi32>
      %add3A_195 = arith.constant 6656 : i32
      %add3A_196 = arith.addi %add3A_195, %mul3A_97 : i32
      %swap3A_197 = arith.index_cast %add3A_196 : i32 to index
      %swap3A_198 = tpu.vector_load %arg15[%swap3A_197] {strides = array<i32>} : memref<16384xi32, #tpu.memory_space<vmem>>, vector<16xi32>,
      tpu.vector_store %arg15[%swap3A_197], %add3A_194 {strides = array<i32>} : memref<16384xi32, #tpu.memory_space<vmem>>, vector<16xi32>,
      %add3A_199 = arith.constant 14 : i32
      %add3A_200 = vector.broadcast %add3A_199 : i32 to vector<16xi32>
      %add3A_201 = arith.addi %mul3A_101, %add3A_200 : vector<16xi32>
      %add3A_202 = arith.constant 7168 : i32
      %add3A_203 = arith.addi %add3A_202, %mul3A_97 : i32
      %swap3A_204 = arith.index_cast %add3A_203 : i32 to index
      %swap3A_205 = tpu.vector_load %arg15[%swap3A_204] {strides = array<i32>} : memref<16384xi32, #tpu.memory_space<vmem>>, vector<16xi32>,
      tpu.vector_store %arg15[%swap3A_204], %add3A_201 {strides = array<i32>} : memref<16384xi32, #tpu.memory_space<vmem>>, vector<16xi32>,
      %add3A_206 = arith.constant 15 : i32
      %add3A_207 = vector.broadcast %add3A_206 : i32 to vector<16xi32>
      %add3A_208 = arith.addi %mul3A_101, %add3A_207 : vector<16xi32>
      %add3A_209 = arith.constant 7680 : i32
      %add3A_210 = arith.addi %add3A_209, %mul3A_97 : i32
      %swap3A_211 = arith.index_cast %add3A_210 : i32 to index
      %swap3A_212 = tpu.vector_load %arg15[%swap3A_211] {strides = array<i32>} : memref<16384xi32, #tpu.memory_space<vmem>>, vector<16xi32>,
      tpu.vector_store %arg15[%swap3A_211], %add3A_208 {strides = array<i32>} : memref<16384xi32, #tpu.memory_space<vmem>>, vector<16xi32>,
      %add3A_213 = arith.constant 16 : i32
      %add3A_214 = vector.broadcast %add3A_213 : i32 to vector<16xi32>
      %add3A_215 = arith.addi %mul3A_101, %add3A_214 : vector<16xi32>
      %add3A_216 = arith.constant 8192 : i32
      %add3A_217 = arith.addi %add3A_216, %mul3A_97 : i32
      %swap3A_218 = arith.index_cast %add3A_217 : i32 to index
      %swap3A_219 = tpu.vector_load %arg15[%swap3A_218] {strides = array<i32>} : memref<16384xi32, #tpu.memory_space<vmem>>, vector<16xi32>,
      tpu.vector_store %arg15[%swap3A_218], %add3A_215 {strides = array<i32>} : memref<16384xi32, #tpu.memory_space<vmem>>, vector<16xi32>,
      %add3A_220 = arith.constant 17 : i32
      %add3A_221 = vector.broadcast %add3A_220 : i32 to vector<16xi32>
      %add3A_222 = arith.addi %mul3A_101, %add3A_221 : vector<16xi32>
      %add3A_223 = arith.constant 8704 : i32
      %add3A_224 = arith.addi %add3A_223, %mul3A_97 : i32
      %swap3A_225 = arith.index_cast %add3A_224 : i32 to index
      %swap3A_226 = tpu.vector_load %arg15[%swap3A_225] {strides = array<i32>} : memref<16384xi32, #tpu.memory_space<vmem>>, vector<16xi32>,
      tpu.vector_store %arg15[%swap3A_225], %add3A_222 {strides = array<i32>} : memref<16384xi32, #tpu.memory_space<vmem>>, vector<16xi32>,
      %add3A_227 = arith.constant 18 : i32
      %add3A_228 = vector.broadcast %add3A_227 : i32 to vector<16xi32>
      %add3A_229 = arith.addi %mul3A_101, %add3A_228 : vector<16xi32>
      %add3A_230 = arith.constant 9216 : i32
      %add3A_231 = arith.addi %add3A_230, %mul3A_97 : i32
      %swap3A_232 = arith.index_cast %add3A_231 : i32 to index
      %swap3A_233 = tpu.vector_load %arg15[%swap3A_232] {strides = array<i32>} : memref<16384xi32, #tpu.memory_space<vmem>>, vector<16xi32>,
      tpu.vector_store %arg15[%swap3A_232], %add3A_229 {strides = array<i32>} : memref<16384xi32, #tpu.memory_space<vmem>>, vector<16xi32>,
      %add3A_234 = arith.constant 19 : i32
      %add3A_235 = vector.broadcast %add3A_234 : i32 to vector<16xi32>
      %add3A_236 = arith.addi %mul3A_101, %add3A_235 : vector<16xi32>
      %add3A_237 = arith.constant 9728 : i32
      %add3A_238 = arith.addi %add3A_237, %mul3A_97 : i32
      %swap3A_239 = arith.index_cast %add3A_238 : i32 to index
      %swap3A_240 = tpu.vector_load %arg15[%swap3A_239] {strides = array<i32>} : memref<16384xi32, #tpu.memory_space<vmem>>, vector<16xi32>,
      tpu.vector_store %arg15[%swap3A_239], %add3A_236 {strides = array<i32>} : memref<16384xi32, #tpu.memory_space<vmem>>, vector<16xi32>,
      %add3A_241 = arith.constant 20 : i32
      %add3A_242 = vector.broadcast %add3A_241 : i32 to vector<16xi32>
      %add3A_243 = arith.addi %mul3A_101, %add3A_242 : vector<16xi32>
      %add3A_244 = arith.constant 10240 : i32
      %add3A_245 = arith.addi %add3A_244, %mul3A_97 : i32
      %swap3A_246 = arith.index_cast %add3A_245 : i32 to index
      %swap3A_247 = tpu.vector_load %arg15[%swap3A_246] {strides = array<i32>} : memref<16384xi32, #tpu.memory_space<vmem>>, vector<16xi32>,
      tpu.vector_store %arg15[%swap3A_246], %add3A_243 {strides = array<i32>} : memref<16384xi32, #tpu.memory_space<vmem>>, vector<16xi32>,
      %add3A_248 = arith.constant 21 : i32
      %add3A_249 = vector.broadcast %add3A_248 : i32 to vector<16xi32>
      %add3A_250 = arith.addi %mul3A_101, %add3A_249 : vector<16xi32>
      %add3A_251 = arith.constant 10752 : i32
      %add3A_252 = arith.addi %add3A_251, %mul3A_97 : i32
      %swap3A_253 = arith.index_cast %add3A_252 : i32 to index
      %swap3A_254 = tpu.vector_load %arg15[%swap3A_253] {strides = array<i32>} : memref<16384xi32, #tpu.memory_space<vmem>>, vector<16xi32>,
      tpu.vector_store %arg15[%swap3A_253], %add3A_250 {strides = array<i32>} : memref<16384xi32, #tpu.memory_space<vmem>>, vector<16xi32>,
      %add3A_255 = arith.constant 22 : i32
      %add3A_256 = vector.broadcast %add3A_255 : i32 to vector<16xi32>
      %add3A_257 = arith.addi %mul3A_101, %add3A_256 : vector<16xi32>
      %add3A_258 = arith.constant 11264 : i32
      %add3A_259 = arith.addi %add3A_258, %mul3A_97 : i32
      %swap3A_260 = arith.index_cast %add3A_259 : i32 to index
      %swap3A_261 = tpu.vector_load %arg15[%swap3A_260] {strides = array<i32>} : memref<16384xi32, #tpu.memory_space<vmem>>, vector<16xi32>,
      tpu.vector_store %arg15[%swap3A_260], %add3A_257 {strides = array<i32>} : memref<16384xi32, #tpu.memory_space<vmem>>, vector<16xi32>,
      %add3A_262 = arith.constant 23 : i32
      %add3A_263 = vector.broadcast %add3A_262 : i32 to vector<16xi32>
      %add3A_264 = arith.addi %mul3A_101, %add3A_263 : vector<16xi32>
      %add3A_265 = arith.constant 11776 : i32
      %add3A_266 = arith.addi %add3A_265, %mul3A_97 : i32
      %swap3A_267 = arith.index_cast %add3A_266 : i32 to index
      %swap3A_268 = tpu.vector_load %arg15[%swap3A_267] {strides = array<i32>} : memref<16384xi32, #tpu.memory_space<vmem>>, vector<16xi32>,
      tpu.vector_store %arg15[%swap3A_267], %add3A_264 {strides = array<i32>} : memref<16384xi32, #tpu.memory_space<vmem>>, vector<16xi32>,
      %add3A_269 = arith.constant 24 : i32
      %add3A_270 = vector.broadcast %add3A_269 : i32 to vector<16xi32>
      %add3A_271 = arith.addi %mul3A_101, %add3A_270 : vector<16xi32>
      %add3A_272 = arith.constant 12288 : i32
      %add3A_273 = arith.addi %add3A_272, %mul3A_97 : i32
      %swap3A_274 = arith.index_cast %add3A_273 : i32 to index
      %swap3A_275 = tpu.vector_load %arg15[%swap3A_274] {strides = array<i32>} : memref<16384xi32, #tpu.memory_space<vmem>>, vector<16xi32>,
      tpu.vector_store %arg15[%swap3A_274], %add3A_271 {strides = array<i32>} : memref<16384xi32, #tpu.memory_space<vmem>>, vector<16xi32>,
      %add3A_276 = arith.constant 25 : i32
      %add3A_277 = vector.broadcast %add3A_276 : i32 to vector<16xi32>
      %add3A_278 = arith.addi %mul3A_101, %add3A_277 : vector<16xi32>
      %add3A_279 = arith.constant 12800 : i32
      %add3A_280 = arith.addi %add3A_279, %mul3A_97 : i32
      %swap3A_281 = arith.index_cast %add3A_280 : i32 to index
      %swap3A_282 = tpu.vector_load %arg15[%swap3A_281] {strides = array<i32>} : memref<16384xi32, #tpu.memory_space<vmem>>, vector<16xi32>,
      tpu.vector_store %arg15[%swap3A_281], %add3A_278 {strides = array<i32>} : memref<16384xi32, #tpu.memory_space<vmem>>, vector<16xi32>,
      %add3A_283 = arith.constant 26 : i32
      %add3A_284 = vector.broadcast %add3A_283 : i32 to vector<16xi32>
      %add3A_285 = arith.addi %mul3A_101, %add3A_284 : vector<16xi32>
      %add3A_286 = arith.constant 13312 : i32
      %add3A_287 = arith.addi %add3A_286, %mul3A_97 : i32
      %swap3A_288 = arith.index_cast %add3A_287 : i32 to index
      %swap3A_289 = tpu.vector_load %arg15[%swap3A_288] {strides = array<i32>} : memref<16384xi32, #tpu.memory_space<vmem>>, vector<16xi32>,
      tpu.vector_store %arg15[%swap3A_288], %add3A_285 {strides = array<i32>} : memref<16384xi32, #tpu.memory_space<vmem>>, vector<16xi32>,
      %add3A_290 = arith.constant 27 : i32
      %add3A_291 = vector.broadcast %add3A_290 : i32 to vector<16xi32>
      %add3A_292 = arith.addi %mul3A_101, %add3A_291 : vector<16xi32>
      %add3A_293 = arith.constant 13824 : i32
      %add3A_294 = arith.addi %add3A_293, %mul3A_97 : i32
      %swap3A_295 = arith.index_cast %add3A_294 : i32 to index
      %swap3A_296 = tpu.vector_load %arg15[%swap3A_295] {strides = array<i32>} : memref<16384xi32, #tpu.memory_space<vmem>>, vector<16xi32>,
      tpu.vector_store %arg15[%swap3A_295], %add3A_292 {strides = array<i32>} : memref<16384xi32, #tpu.memory_space<vmem>>, vector<16xi32>,
      %add3A_297 = arith.constant 28 : i32
      %add3A_298 = vector.broadcast %add3A_297 : i32 to vector<16xi32>
      %add3A_299 = arith.addi %mul3A_101, %add3A_298 : vector<16xi32>
      %add3A_300 = arith.constant 14336 : i32
      %add3A_301 = arith.addi %add3A_300, %mul3A_97 : i32
      %swap3A_302 = arith.index_cast %add3A_301 : i32 to index
      %swap3A_303 = tpu.vector_load %arg15[%swap3A_302] {strides = array<i32>} : memref<16384xi32, #tpu.memory_space<vmem>>, vector<16xi32>,
      tpu.vector_store %arg15[%swap3A_302], %add3A_299 {strides = array<i32>} : memref<16384xi32, #tpu.memory_space<vmem>>, vector<16xi32>,
      %add3A_304 = arith.constant 29 : i32
      %add3A_305 = vector.broadcast %add3A_304 : i32 to vector<16xi32>
      %add3A_306 = arith.addi %mul3A_101, %add3A_305 : vector<16xi32>
      %add3A_307 = arith.constant 14848 : i32
      %add3A_308 = arith.addi %add3A_307, %mul3A_97 : i32
      %swap3A_309 = arith.index_cast %add3A_308 : i32 to index
      %swap3A_310 = tpu.vector_load %arg15[%swap3A_309] {strides = array<i32>} : memref<16384xi32, #tpu.memory_space<vmem>>, vector<16xi32>,
      tpu.vector_store %arg15[%swap3A_309], %add3A_306 {strides = array<i32>} : memref<16384xi32, #tpu.memory_space<vmem>>, vector<16xi32>,
      %add3A_311 = arith.constant 30 : i32
      %add3A_312 = vector.broadcast %add3A_311 : i32 to vector<16xi32>
      %add3A_313 = arith.addi %mul3A_101, %add3A_312 : vector<16xi32>
      %add3A_314 = arith.constant 15360 : i32
      %add3A_315 = arith.addi %add3A_314, %mul3A_97 : i32
      %swap3A_316 = arith.index_cast %add3A_315 : i32 to index
      %swap3A_317 = tpu.vector_load %arg15[%swap3A_316] {strides = array<i32>} : memref<16384xi32, #tpu.memory_space<vmem>>, vector<16xi32>,
      tpu.vector_store %arg15[%swap3A_316], %add3A_313 {strides = array<i32>} : memref<16384xi32, #tpu.memory_space<vmem>>, vector<16xi32>,
      %add3A_318 = arith.constant 31 : i32
      %add3A_319 = vector.broadcast %add3A_318 : i32 to vector<16xi32>
      %add3A_320 = arith.addi %mul3A_101, %add3A_319 : vector<16xi32>
      %add3A_321 = arith.constant 15872 : i32
      %add3A_322 = arith.addi %add3A_321, %mul3A_97 : i32
      %swap3A_323 = arith.index_cast %add3A_322 : i32 to index
      %swap3A_324 = tpu.vector_load %arg15[%swap3A_323] {strides = array<i32>} : memref<16384xi32, #tpu.memory_space<vmem>>, vector<16xi32>,
      tpu.vector_store %arg15[%swap3A_323], %add3A_320 {strides = array<i32>} : memref<16384xi32, #tpu.memory_space<vmem>>, vector<16xi32>,
    }
    %scan3A_73 = arith.constant 32 : i32
    "tpu.region"() ({
      %run_scoped3A_91 = tpu.sem_alloc : memref<!tpu.dma_semaphore, #tpu.memory_space<semaphore_mem>>
      %dma_start3A = arith.constant 0 : i32
      %dma_start3A_92 = tpu.memref_slice %arg4[%dma_start3A] : memref<3200000xf32, #tpu.memory_space<hbm>> -> memref<3200000xf32, #tpu.memory_space<hbm>>
      tpu.enqueue_indirect_dma source(%dma_start3A_92 : memref<3200000xf32, #tpu.memory_space<hbm>>) target(%arg16 : memref<16384xf32, #tpu.memory_space<vmem>>) offsets(%arg15 : memref<16384xi32, #tpu.memory_space<vmem>>) semaphore(%run_scoped3A_91 : memref<!tpu.dma_semaphore, #tpu.memory_space<semaphore_mem>>)
      %dma_wait3A = arith.constant 0 : i32
      %dma_wait3A_93 = tpu.memref_slice %arg4[%dma_wait3A] : memref<3200000xf32, #tpu.memory_space<hbm>> -> memref<3200000xf32, #tpu.memory_space<hbm>>
      tpu.wait_indirect_dma semaphore(%run_scoped3A_91 : memref<!tpu.dma_semaphore, #tpu.memory_space<semaphore_mem>>) src(%dma_wait3A_93 : memref<3200000xf32, #tpu.memory_space<hbm>>) dst(%arg16 : memref<16384xf32, #tpu.memory_space<vmem>>)
      tpu.yield
    }) : () -> ()
    %scan3A_74 = arith.constant 0 : i32
    %scan3A_75 = arith.constant 32 : i32
    %scan3A_76 = arith.addi %scan3A_74, %scan3A_75 : i32
    %scan3A_77 = arith.constant 1 : i32
    scf.for %scan3A_91 = %scan3A_74 to %scan3A_76 step %scan3A_77  : i32 {
      %mul3A_92 = arith.constant 1 : i32
      %mul3A_93 = arith.muli %scan3A_91, %mul3A_92 : i32
      %add3A_94 = arith.constant 0 : i32
      %add3A_95 = arith.addi %add3A_94, %mul3A_93 : i32
      %mul3A_96 = arith.constant 16 : i32
      %mul3A_97 = arith.muli %add3A_95, %mul3A_96 : i32
      %mul3A_98 = arith.constant 118 : i32
      %mul3A_99 = arith.muli %mul3A_97, %mul3A_98 : i32
      %add3A_100 = arith.constant 0 : i32
      %add3A_101 = arith.addi %add3A_100, %mul3A_97 : i32
      %get3A = arith.index_cast %add3A_101 : i32 to index
      %get3A_102 = tpu.vector_load %arg16[%get3A] {strides = array<i32>} : memref<16384xf32, #tpu.memory_space<vmem>>, vector<16xf32>,
      %add3A_103 = arith.constant 86 : i32
      %add3A_104 = vector.broadcast %add3A_103 : i32 to vector<16xi32>
      %add3A_105 = arith.addi %mul3A_54, %add3A_104 : vector<16xi32>
      %scatter3A = tpu.memref_slice %arg22[%mul3A_99] : memref<60416xf32, #tpu.memory_space<vmem>> -> memref<1888xf32, #tpu.memory_space<vmem>>
      tpu.vector_store_idx %scatter3A[%add3A_105], %get3A_102 : memref<1888xf32, #tpu.memory_space<vmem>>[vector<16xi32>], vector<16xf32>,
      %add3A_106 = arith.constant 512 : i32
      %add3A_107 = arith.addi %add3A_106, %mul3A_97 : i32
      %get3A_108 = arith.index_cast %add3A_107 : i32 to index
      %get3A_109 = tpu.vector_load %arg16[%get3A_108] {strides = array<i32>} : memref<16384xf32, #tpu.memory_space<vmem>>, vector<16xf32>,
      %add3A_110 = arith.constant 87 : i32
      %add3A_111 = vector.broadcast %add3A_110 : i32 to vector<16xi32>
      %add3A_112 = arith.addi %mul3A_54, %add3A_111 : vector<16xi32>
      %scatter3A_113 = tpu.memref_slice %arg22[%mul3A_99] : memref<60416xf32, #tpu.memory_space<vmem>> -> memref<1888xf32, #tpu.memory_space<vmem>>
      tpu.vector_store_idx %scatter3A_113[%add3A_112], %get3A_109 : memref<1888xf32, #tpu.memory_space<vmem>>[vector<16xi32>], vector<16xf32>,
      %add3A_114 = arith.constant 1024 : i32
      %add3A_115 = arith.addi %add3A_114, %mul3A_97 : i32
      %get3A_116 = arith.index_cast %add3A_115 : i32 to index
      %get3A_117 = tpu.vector_load %arg16[%get3A_116] {strides = array<i32>} : memref<16384xf32, #tpu.memory_space<vmem>>, vector<16xf32>,
      %add3A_118 = arith.constant 88 : i32
      %add3A_119 = vector.broadcast %add3A_118 : i32 to vector<16xi32>
      %add3A_120 = arith.addi %mul3A_54, %add3A_119 : vector<16xi32>
      %scatter3A_121 = tpu.memref_slice %arg22[%mul3A_99] : memref<60416xf32, #tpu.memory_space<vmem>> -> memref<1888xf32, #tpu.memory_space<vmem>>
      tpu.vector_store_idx %scatter3A_121[%add3A_120], %get3A_117 : memref<1888xf32, #tpu.memory_space<vmem>>[vector<16xi32>], vector<16xf32>,
      %add3A_122 = arith.constant 1536 : i32
      %add3A_123 = arith.addi %add3A_122, %mul3A_97 : i32
      %get3A_124 = arith.index_cast %add3A_123 : i32 to index
      %get3A_125 = tpu.vector_load %arg16[%get3A_124] {strides = array<i32>} : memref<16384xf32, #tpu.memory_space<vmem>>, vector<16xf32>,
      %add3A_126 = arith.constant 89 : i32
      %add3A_127 = vector.broadcast %add3A_126 : i32 to vector<16xi32>
      %add3A_128 = arith.addi %mul3A_54, %add3A_127 : vector<16xi32>
      %scatter3A_129 = tpu.memref_slice %arg22[%mul3A_99] : memref<60416xf32, #tpu.memory_space<vmem>> -> memref<1888xf32, #tpu.memory_space<vmem>>
      tpu.vector_store_idx %scatter3A_129[%add3A_128], %get3A_125 : memref<1888xf32, #tpu.memory_space<vmem>>[vector<16xi32>], vector<16xf32>,
      %add3A_130 = arith.constant 2048 : i32
      %add3A_131 = arith.addi %add3A_130, %mul3A_97 : i32
      %get3A_132 = arith.index_cast %add3A_131 : i32 to index
      %get3A_133 = tpu.vector_load %arg16[%get3A_132] {strides = array<i32>} : memref<16384xf32, #tpu.memory_space<vmem>>, vector<16xf32>,
      %add3A_134 = arith.constant 90 : i32
      %add3A_135 = vector.broadcast %add3A_134 : i32 to vector<16xi32>
      %add3A_136 = arith.addi %mul3A_54, %add3A_135 : vector<16xi32>
      %scatter3A_137 = tpu.memref_slice %arg22[%mul3A_99] : memref<60416xf32, #tpu.memory_space<vmem>> -> memref<1888xf32, #tpu.memory_space<vmem>>
      tpu.vector_store_idx %scatter3A_137[%add3A_136], %get3A_133 : memref<1888xf32, #tpu.memory_space<vmem>>[vector<16xi32>], vector<16xf32>,
      %add3A_138 = arith.constant 2560 : i32
      %add3A_139 = arith.addi %add3A_138, %mul3A_97 : i32
      %get3A_140 = arith.index_cast %add3A_139 : i32 to index
      %get3A_141 = tpu.vector_load %arg16[%get3A_140] {strides = array<i32>} : memref<16384xf32, #tpu.memory_space<vmem>>, vector<16xf32>,
      %add3A_142 = arith.constant 91 : i32
      %add3A_143 = vector.broadcast %add3A_142 : i32 to vector<16xi32>
      %add3A_144 = arith.addi %mul3A_54, %add3A_143 : vector<16xi32>
      %scatter3A_145 = tpu.memref_slice %arg22[%mul3A_99] : memref<60416xf32, #tpu.memory_space<vmem>> -> memref<1888xf32, #tpu.memory_space<vmem>>
      tpu.vector_store_idx %scatter3A_145[%add3A_144], %get3A_141 : memref<1888xf32, #tpu.memory_space<vmem>>[vector<16xi32>], vector<16xf32>,
      %add3A_146 = arith.constant 3072 : i32
      %add3A_147 = arith.addi %add3A_146, %mul3A_97 : i32
      %get3A_148 = arith.index_cast %add3A_147 : i32 to index
      %get3A_149 = tpu.vector_load %arg16[%get3A_148] {strides = array<i32>} : memref<16384xf32, #tpu.memory_space<vmem>>, vector<16xf32>,
      %add3A_150 = arith.constant 92 : i32
      %add3A_151 = vector.broadcast %add3A_150 : i32 to vector<16xi32>
      %add3A_152 = arith.addi %mul3A_54, %add3A_151 : vector<16xi32>
      %scatter3A_153 = tpu.memref_slice %arg22[%mul3A_99] : memref<60416xf32, #tpu.memory_space<vmem>> -> memref<1888xf32, #tpu.memory_space<vmem>>
      tpu.vector_store_idx %scatter3A_153[%add3A_152], %get3A_149 : memref<1888xf32, #tpu.memory_space<vmem>>[vector<16xi32>], vector<16xf32>,
      %add3A_154 = arith.constant 3584 : i32
      %add3A_155 = arith.addi %add3A_154, %mul3A_97 : i32
      %get3A_156 = arith.index_cast %add3A_155 : i32 to index
      %get3A_157 = tpu.vector_load %arg16[%get3A_156] {strides = array<i32>} : memref<16384xf32, #tpu.memory_space<vmem>>, vector<16xf32>,
      %add3A_158 = arith.constant 93 : i32
      %add3A_159 = vector.broadcast %add3A_158 : i32 to vector<16xi32>
      %add3A_160 = arith.addi %mul3A_54, %add3A_159 : vector<16xi32>
      %scatter3A_161 = tpu.memref_slice %arg22[%mul3A_99] : memref<60416xf32, #tpu.memory_space<vmem>> -> memref<1888xf32, #tpu.memory_space<vmem>>
      tpu.vector_store_idx %scatter3A_161[%add3A_160], %get3A_157 : memref<1888xf32, #tpu.memory_space<vmem>>[vector<16xi32>], vector<16xf32>,
      %add3A_162 = arith.constant 4096 : i32
      %add3A_163 = arith.addi %add3A_162, %mul3A_97 : i32
      %get3A_164 = arith.index_cast %add3A_163 : i32 to index
      %get3A_165 = tpu.vector_load %arg16[%get3A_164] {strides = array<i32>} : memref<16384xf32, #tpu.memory_space<vmem>>, vector<16xf32>,
      %add3A_166 = arith.constant 94 : i32
      %add3A_167 = vector.broadcast %add3A_166 : i32 to vector<16xi32>
      %add3A_168 = arith.addi %mul3A_54, %add3A_167 : vector<16xi32>
      %scatter3A_169 = tpu.memref_slice %arg22[%mul3A_99] : memref<60416xf32, #tpu.memory_space<vmem>> -> memref<1888xf32, #tpu.memory_space<vmem>>
      tpu.vector_store_idx %scatter3A_169[%add3A_168], %get3A_165 : memref<1888xf32, #tpu.memory_space<vmem>>[vector<16xi32>], vector<16xf32>,
      %add3A_170 = arith.constant 4608 : i32
      %add3A_171 = arith.addi %add3A_170, %mul3A_97 : i32
      %get3A_172 = arith.index_cast %add3A_171 : i32 to index
      %get3A_173 = tpu.vector_load %arg16[%get3A_172] {strides = array<i32>} : memref<16384xf32, #tpu.memory_space<vmem>>, vector<16xf32>,
      %add3A_174 = arith.constant 95 : i32
      %add3A_175 = vector.broadcast %add3A_174 : i32 to vector<16xi32>
      %add3A_176 = arith.addi %mul3A_54, %add3A_175 : vector<16xi32>
      %scatter3A_177 = tpu.memref_slice %arg22[%mul3A_99] : memref<60416xf32, #tpu.memory_space<vmem>> -> memref<1888xf32, #tpu.memory_space<vmem>>
      tpu.vector_store_idx %scatter3A_177[%add3A_176], %get3A_173 : memref<1888xf32, #tpu.memory_space<vmem>>[vector<16xi32>], vector<16xf32>,
      %add3A_178 = arith.constant 5120 : i32
      %add3A_179 = arith.addi %add3A_178, %mul3A_97 : i32
      %get3A_180 = arith.index_cast %add3A_179 : i32 to index
      %get3A_181 = tpu.vector_load %arg16[%get3A_180] {strides = array<i32>} : memref<16384xf32, #tpu.memory_space<vmem>>, vector<16xf32>,
      %add3A_182 = arith.constant 96 : i32
      %add3A_183 = vector.broadcast %add3A_182 : i32 to vector<16xi32>
      %add3A_184 = arith.addi %mul3A_54, %add3A_183 : vector<16xi32>
      %scatter3A_185 = tpu.memref_slice %arg22[%mul3A_99] : memref<60416xf32, #tpu.memory_space<vmem>> -> memref<1888xf32, #tpu.memory_space<vmem>>
      tpu.vector_store_idx %scatter3A_185[%add3A_184], %get3A_181 : memref<1888xf32, #tpu.memory_space<vmem>>[vector<16xi32>], vector<16xf32>,
      %add3A_186 = arith.constant 5632 : i32
      %add3A_187 = arith.addi %add3A_186, %mul3A_97 : i32
      %get3A_188 = arith.index_cast %add3A_187 : i32 to index
      %get3A_189 = tpu.vector_load %arg16[%get3A_188] {strides = array<i32>} : memref<16384xf32, #tpu.memory_space<vmem>>, vector<16xf32>,
      %add3A_190 = arith.constant 97 : i32
      %add3A_191 = vector.broadcast %add3A_190 : i32 to vector<16xi32>
      %add3A_192 = arith.addi %mul3A_54, %add3A_191 : vector<16xi32>
      %scatter3A_193 = tpu.memref_slice %arg22[%mul3A_99] : memref<60416xf32, #tpu.memory_space<vmem>> -> memref<1888xf32, #tpu.memory_space<vmem>>
      tpu.vector_store_idx %scatter3A_193[%add3A_192], %get3A_189 : memref<1888xf32, #tpu.memory_space<vmem>>[vector<16xi32>], vector<16xf32>,
      %add3A_194 = arith.constant 6144 : i32
      %add3A_195 = arith.addi %add3A_194, %mul3A_97 : i32
      %get3A_196 = arith.index_cast %add3A_195 : i32 to index
      %get3A_197 = tpu.vector_load %arg16[%get3A_196] {strides = array<i32>} : memref<16384xf32, #tpu.memory_space<vmem>>, vector<16xf32>,
      %add3A_198 = arith.constant 98 : i32
      %add3A_199 = vector.broadcast %add3A_198 : i32 to vector<16xi32>
      %add3A_200 = arith.addi %mul3A_54, %add3A_199 : vector<16xi32>
      %scatter3A_201 = tpu.memref_slice %arg22[%mul3A_99] : memref<60416xf32, #tpu.memory_space<vmem>> -> memref<1888xf32, #tpu.memory_space<vmem>>
      tpu.vector_store_idx %scatter3A_201[%add3A_200], %get3A_197 : memref<1888xf32, #tpu.memory_space<vmem>>[vector<16xi32>], vector<16xf32>,
      %add3A_202 = arith.constant 6656 : i32
      %add3A_203 = arith.addi %add3A_202, %mul3A_97 : i32
      %get3A_204 = arith.index_cast %add3A_203 : i32 to index
      %get3A_205 = tpu.vector_load %arg16[%get3A_204] {strides = array<i32>} : memref<16384xf32, #tpu.memory_space<vmem>>, vector<16xf32>,
      %add3A_206 = arith.constant 99 : i32
      %add3A_207 = vector.broadcast %add3A_206 : i32 to vector<16xi32>
      %add3A_208 = arith.addi %mul3A_54, %add3A_207 : vector<16xi32>
      %scatter3A_209 = tpu.memref_slice %arg22[%mul3A_99] : memref<60416xf32, #tpu.memory_space<vmem>> -> memref<1888xf32, #tpu.memory_space<vmem>>
      tpu.vector_store_idx %scatter3A_209[%add3A_208], %get3A_205 : memref<1888xf32, #tpu.memory_space<vmem>>[vector<16xi32>], vector<16xf32>,
      %add3A_210 = arith.constant 7168 : i32
      %add3A_211 = arith.addi %add3A_210, %mul3A_97 : i32
      %get3A_212 = arith.index_cast %add3A_211 : i32 to index
      %get3A_213 = tpu.vector_load %arg16[%get3A_212] {strides = array<i32>} : memref<16384xf32, #tpu.memory_space<vmem>>, vector<16xf32>,
      %add3A_214 = arith.constant 100 : i32
      %add3A_215 = vector.broadcast %add3A_214 : i32 to vector<16xi32>
      %add3A_216 = arith.addi %mul3A_54, %add3A_215 : vector<16xi32>
      %scatter3A_217 = tpu.memref_slice %arg22[%mul3A_99] : memref<60416xf32, #tpu.memory_space<vmem>> -> memref<1888xf32, #tpu.memory_space<vmem>>
      tpu.vector_store_idx %scatter3A_217[%add3A_216], %get3A_213 : memref<1888xf32, #tpu.memory_space<vmem>>[vector<16xi32>], vector<16xf32>,
      %add3A_218 = arith.constant 7680 : i32
      %add3A_219 = arith.addi %add3A_218, %mul3A_97 : i32
      %get3A_220 = arith.index_cast %add3A_219 : i32 to index
      %get3A_221 = tpu.vector_load %arg16[%get3A_220] {strides = array<i32>} : memref<16384xf32, #tpu.memory_space<vmem>>, vector<16xf32>,
      %add3A_222 = arith.constant 101 : i32
      %add3A_223 = vector.broadcast %add3A_222 : i32 to vector<16xi32>
      %add3A_224 = arith.addi %mul3A_54, %add3A_223 : vector<16xi32>
      %scatter3A_225 = tpu.memref_slice %arg22[%mul3A_99] : memref<60416xf32, #tpu.memory_space<vmem>> -> memref<1888xf32, #tpu.memory_space<vmem>>
      tpu.vector_store_idx %scatter3A_225[%add3A_224], %get3A_221 : memref<1888xf32, #tpu.memory_space<vmem>>[vector<16xi32>], vector<16xf32>,
      %add3A_226 = arith.constant 8192 : i32
      %add3A_227 = arith.addi %add3A_226, %mul3A_97 : i32
      %get3A_228 = arith.index_cast %add3A_227 : i32 to index
      %get3A_229 = tpu.vector_load %arg16[%get3A_228] {strides = array<i32>} : memref<16384xf32, #tpu.memory_space<vmem>>, vector<16xf32>,
      %add3A_230 = arith.constant 102 : i32
      %add3A_231 = vector.broadcast %add3A_230 : i32 to vector<16xi32>
      %add3A_232 = arith.addi %mul3A_54, %add3A_231 : vector<16xi32>
      %scatter3A_233 = tpu.memref_slice %arg22[%mul3A_99] : memref<60416xf32, #tpu.memory_space<vmem>> -> memref<1888xf32, #tpu.memory_space<vmem>>
      tpu.vector_store_idx %scatter3A_233[%add3A_232], %get3A_229 : memref<1888xf32, #tpu.memory_space<vmem>>[vector<16xi32>], vector<16xf32>,
      %add3A_234 = arith.constant 8704 : i32
      %add3A_235 = arith.addi %add3A_234, %mul3A_97 : i32
      %get3A_236 = arith.index_cast %add3A_235 : i32 to index
      %get3A_237 = tpu.vector_load %arg16[%get3A_236] {strides = array<i32>} : memref<16384xf32, #tpu.memory_space<vmem>>, vector<16xf32>,
      %add3A_238 = arith.constant 103 : i32
      %add3A_239 = vector.broadcast %add3A_238 : i32 to vector<16xi32>
      %add3A_240 = arith.addi %mul3A_54, %add3A_239 : vector<16xi32>
      %scatter3A_241 = tpu.memref_slice %arg22[%mul3A_99] : memref<60416xf32, #tpu.memory_space<vmem>> -> memref<1888xf32, #tpu.memory_space<vmem>>
      tpu.vector_store_idx %scatter3A_241[%add3A_240], %get3A_237 : memref<1888xf32, #tpu.memory_space<vmem>>[vector<16xi32>], vector<16xf32>,
      %add3A_242 = arith.constant 9216 : i32
      %add3A_243 = arith.addi %add3A_242, %mul3A_97 : i32
      %get3A_244 = arith.index_cast %add3A_243 : i32 to index
      %get3A_245 = tpu.vector_load %arg16[%get3A_244] {strides = array<i32>} : memref<16384xf32, #tpu.memory_space<vmem>>, vector<16xf32>,
      %add3A_246 = arith.constant 104 : i32
      %add3A_247 = vector.broadcast %add3A_246 : i32 to vector<16xi32>
      %add3A_248 = arith.addi %mul3A_54, %add3A_247 : vector<16xi32>
      %scatter3A_249 = tpu.memref_slice %arg22[%mul3A_99] : memref<60416xf32, #tpu.memory_space<vmem>> -> memref<1888xf32, #tpu.memory_space<vmem>>
      tpu.vector_store_idx %scatter3A_249[%add3A_248], %get3A_245 : memref<1888xf32, #tpu.memory_space<vmem>>[vector<16xi32>], vector<16xf32>,
      %add3A_250 = arith.constant 9728 : i32
      %add3A_251 = arith.addi %add3A_250, %mul3A_97 : i32
      %get3A_252 = arith.index_cast %add3A_251 : i32 to index
      %get3A_253 = tpu.vector_load %arg16[%get3A_252] {strides = array<i32>} : memref<16384xf32, #tpu.memory_space<vmem>>, vector<16xf32>,
      %add3A_254 = arith.constant 105 : i32
      %add3A_255 = vector.broadcast %add3A_254 : i32 to vector<16xi32>
      %add3A_256 = arith.addi %mul3A_54, %add3A_255 : vector<16xi32>
      %scatter3A_257 = tpu.memref_slice %arg22[%mul3A_99] : memref<60416xf32, #tpu.memory_space<vmem>> -> memref<1888xf32, #tpu.memory_space<vmem>>
      tpu.vector_store_idx %scatter3A_257[%add3A_256], %get3A_253 : memref<1888xf32, #tpu.memory_space<vmem>>[vector<16xi32>], vector<16xf32>,
      %add3A_258 = arith.constant 10240 : i32
      %add3A_259 = arith.addi %add3A_258, %mul3A_97 : i32
      %get3A_260 = arith.index_cast %add3A_259 : i32 to index
      %get3A_261 = tpu.vector_load %arg16[%get3A_260] {strides = array<i32>} : memref<16384xf32, #tpu.memory_space<vmem>>, vector<16xf32>,
      %add3A_262 = arith.constant 106 : i32
      %add3A_263 = vector.broadcast %add3A_262 : i32 to vector<16xi32>
      %add3A_264 = arith.addi %mul3A_54, %add3A_263 : vector<16xi32>
      %scatter3A_265 = tpu.memref_slice %arg22[%mul3A_99] : memref<60416xf32, #tpu.memory_space<vmem>> -> memref<1888xf32, #tpu.memory_space<vmem>>
      tpu.vector_store_idx %scatter3A_265[%add3A_264], %get3A_261 : memref<1888xf32, #tpu.memory_space<vmem>>[vector<16xi32>], vector<16xf32>,
      %add3A_266 = arith.constant 10752 : i32
      %add3A_267 = arith.addi %add3A_266, %mul3A_97 : i32
      %get3A_268 = arith.index_cast %add3A_267 : i32 to index
      %get3A_269 = tpu.vector_load %arg16[%get3A_268] {strides = array<i32>} : memref<16384xf32, #tpu.memory_space<vmem>>, vector<16xf32>,
      %add3A_270 = arith.constant 107 : i32
      %add3A_271 = vector.broadcast %add3A_270 : i32 to vector<16xi32>
      %add3A_272 = arith.addi %mul3A_54, %add3A_271 : vector<16xi32>
      %scatter3A_273 = tpu.memref_slice %arg22[%mul3A_99] : memref<60416xf32, #tpu.memory_space<vmem>> -> memref<1888xf32, #tpu.memory_space<vmem>>
      tpu.vector_store_idx %scatter3A_273[%add3A_272], %get3A_269 : memref<1888xf32, #tpu.memory_space<vmem>>[vector<16xi32>], vector<16xf32>,
      %add3A_274 = arith.constant 11264 : i32
      %add3A_275 = arith.addi %add3A_274, %mul3A_97 : i32
      %get3A_276 = arith.index_cast %add3A_275 : i32 to index
      %get3A_277 = tpu.vector_load %arg16[%get3A_276] {strides = array<i32>} : memref<16384xf32, #tpu.memory_space<vmem>>, vector<16xf32>,
      %add3A_278 = arith.constant 108 : i32
      %add3A_279 = vector.broadcast %add3A_278 : i32 to vector<16xi32>
      %add3A_280 = arith.addi %mul3A_54, %add3A_279 : vector<16xi32>
      %scatter3A_281 = tpu.memref_slice %arg22[%mul3A_99] : memref<60416xf32, #tpu.memory_space<vmem>> -> memref<1888xf32, #tpu.memory_space<vmem>>
      tpu.vector_store_idx %scatter3A_281[%add3A_280], %get3A_277 : memref<1888xf32, #tpu.memory_space<vmem>>[vector<16xi32>], vector<16xf32>,
      %add3A_282 = arith.constant 11776 : i32
      %add3A_283 = arith.addi %add3A_282, %mul3A_97 : i32
      %get3A_284 = arith.index_cast %add3A_283 : i32 to index
      %get3A_285 = tpu.vector_load %arg16[%get3A_284] {strides = array<i32>} : memref<16384xf32, #tpu.memory_space<vmem>>, vector<16xf32>,
      %add3A_286 = arith.constant 109 : i32
      %add3A_287 = vector.broadcast %add3A_286 : i32 to vector<16xi32>
      %add3A_288 = arith.addi %mul3A_54, %add3A_287 : vector<16xi32>
      %scatter3A_289 = tpu.memref_slice %arg22[%mul3A_99] : memref<60416xf32, #tpu.memory_space<vmem>> -> memref<1888xf32, #tpu.memory_space<vmem>>
      tpu.vector_store_idx %scatter3A_289[%add3A_288], %get3A_285 : memref<1888xf32, #tpu.memory_space<vmem>>[vector<16xi32>], vector<16xf32>,
      %add3A_290 = arith.constant 12288 : i32
      %add3A_291 = arith.addi %add3A_290, %mul3A_97 : i32
      %get3A_292 = arith.index_cast %add3A_291 : i32 to index
      %get3A_293 = tpu.vector_load %arg16[%get3A_292] {strides = array<i32>} : memref<16384xf32, #tpu.memory_space<vmem>>, vector<16xf32>,
      %add3A_294 = arith.constant 110 : i32
      %add3A_295 = vector.broadcast %add3A_294 : i32 to vector<16xi32>
      %add3A_296 = arith.addi %mul3A_54, %add3A_295 : vector<16xi32>
      %scatter3A_297 = tpu.memref_slice %arg22[%mul3A_99] : memref<60416xf32, #tpu.memory_space<vmem>> -> memref<1888xf32, #tpu.memory_space<vmem>>
      tpu.vector_store_idx %scatter3A_297[%add3A_296], %get3A_293 : memref<1888xf32, #tpu.memory_space<vmem>>[vector<16xi32>], vector<16xf32>,
      %add3A_298 = arith.constant 12800 : i32
      %add3A_299 = arith.addi %add3A_298, %mul3A_97 : i32
      %get3A_300 = arith.index_cast %add3A_299 : i32 to index
      %get3A_301 = tpu.vector_load %arg16[%get3A_300] {strides = array<i32>} : memref<16384xf32, #tpu.memory_space<vmem>>, vector<16xf32>,
      %add3A_302 = arith.constant 111 : i32
      %add3A_303 = vector.broadcast %add3A_302 : i32 to vector<16xi32>
      %add3A_304 = arith.addi %mul3A_54, %add3A_303 : vector<16xi32>
      %scatter3A_305 = tpu.memref_slice %arg22[%mul3A_99] : memref<60416xf32, #tpu.memory_space<vmem>> -> memref<1888xf32, #tpu.memory_space<vmem>>
      tpu.vector_store_idx %scatter3A_305[%add3A_304], %get3A_301 : memref<1888xf32, #tpu.memory_space<vmem>>[vector<16xi32>], vector<16xf32>,
      %add3A_306 = arith.constant 13312 : i32
      %add3A_307 = arith.addi %add3A_306, %mul3A_97 : i32
      %get3A_308 = arith.index_cast %add3A_307 : i32 to index
      %get3A_309 = tpu.vector_load %arg16[%get3A_308] {strides = array<i32>} : memref<16384xf32, #tpu.memory_space<vmem>>, vector<16xf32>,
      %add3A_310 = arith.constant 112 : i32
      %add3A_311 = vector.broadcast %add3A_310 : i32 to vector<16xi32>
      %add3A_312 = arith.addi %mul3A_54, %add3A_311 : vector<16xi32>
      %scatter3A_313 = tpu.memref_slice %arg22[%mul3A_99] : memref<60416xf32, #tpu.memory_space<vmem>> -> memref<1888xf32, #tpu.memory_space<vmem>>
      tpu.vector_store_idx %scatter3A_313[%add3A_312], %get3A_309 : memref<1888xf32, #tpu.memory_space<vmem>>[vector<16xi32>], vector<16xf32>,
      %add3A_314 = arith.constant 13824 : i32
      %add3A_315 = arith.addi %add3A_314, %mul3A_97 : i32
      %get3A_316 = arith.index_cast %add3A_315 : i32 to index
      %get3A_317 = tpu.vector_load %arg16[%get3A_316] {strides = array<i32>} : memref<16384xf32, #tpu.memory_space<vmem>>, vector<16xf32>,
      %add3A_318 = arith.constant 113 : i32
      %add3A_319 = vector.broadcast %add3A_318 : i32 to vector<16xi32>
      %add3A_320 = arith.addi %mul3A_54, %add3A_319 : vector<16xi32>
      %scatter3A_321 = tpu.memref_slice %arg22[%mul3A_99] : memref<60416xf32, #tpu.memory_space<vmem>> -> memref<1888xf32, #tpu.memory_space<vmem>>
      tpu.vector_store_idx %scatter3A_321[%add3A_320], %get3A_317 : memref<1888xf32, #tpu.memory_space<vmem>>[vector<16xi32>], vector<16xf32>,
      %add3A_322 = arith.constant 14336 : i32
      %add3A_323 = arith.addi %add3A_322, %mul3A_97 : i32
      %get3A_324 = arith.index_cast %add3A_323 : i32 to index
      %get3A_325 = tpu.vector_load %arg16[%get3A_324] {strides = array<i32>} : memref<16384xf32, #tpu.memory_space<vmem>>, vector<16xf32>,
      %add3A_326 = arith.constant 114 : i32
      %add3A_327 = vector.broadcast %add3A_326 : i32 to vector<16xi32>
      %add3A_328 = arith.addi %mul3A_54, %add3A_327 : vector<16xi32>
      %scatter3A_329 = tpu.memref_slice %arg22[%mul3A_99] : memref<60416xf32, #tpu.memory_space<vmem>> -> memref<1888xf32, #tpu.memory_space<vmem>>
      tpu.vector_store_idx %scatter3A_329[%add3A_328], %get3A_325 : memref<1888xf32, #tpu.memory_space<vmem>>[vector<16xi32>], vector<16xf32>,
      %add3A_330 = arith.constant 14848 : i32
      %add3A_331 = arith.addi %add3A_330, %mul3A_97 : i32
      %get3A_332 = arith.index_cast %add3A_331 : i32 to index
      %get3A_333 = tpu.vector_load %arg16[%get3A_332] {strides = array<i32>} : memref<16384xf32, #tpu.memory_space<vmem>>, vector<16xf32>,
      %add3A_334 = arith.constant 115 : i32
      %add3A_335 = vector.broadcast %add3A_334 : i32 to vector<16xi32>
      %add3A_336 = arith.addi %mul3A_54, %add3A_335 : vector<16xi32>
      %scatter3A_337 = tpu.memref_slice %arg22[%mul3A_99] : memref<60416xf32, #tpu.memory_space<vmem>> -> memref<1888xf32, #tpu.memory_space<vmem>>
      tpu.vector_store_idx %scatter3A_337[%add3A_336], %get3A_333 : memref<1888xf32, #tpu.memory_space<vmem>>[vector<16xi32>], vector<16xf32>,
      %add3A_338 = arith.constant 15360 : i32
      %add3A_339 = arith.addi %add3A_338, %mul3A_97 : i32
      %get3A_340 = arith.index_cast %add3A_339 : i32 to index
      %get3A_341 = tpu.vector_load %arg16[%get3A_340] {strides = array<i32>} : memref<16384xf32, #tpu.memory_space<vmem>>, vector<16xf32>,
      %add3A_342 = arith.constant 116 : i32
      %add3A_343 = vector.broadcast %add3A_342 : i32 to vector<16xi32>
      %add3A_344 = arith.addi %mul3A_54, %add3A_343 : vector<16xi32>
      %scatter3A_345 = tpu.memref_slice %arg22[%mul3A_99] : memref<60416xf32, #tpu.memory_space<vmem>> -> memref<1888xf32, #tpu.memory_space<vmem>>
      tpu.vector_store_idx %scatter3A_345[%add3A_344], %get3A_341 : memref<1888xf32, #tpu.memory_space<vmem>>[vector<16xi32>], vector<16xf32>,
      %add3A_346 = arith.constant 15872 : i32
      %add3A_347 = arith.addi %add3A_346, %mul3A_97 : i32
      %get3A_348 = arith.index_cast %add3A_347 : i32 to index
      %get3A_349 = tpu.vector_load %arg16[%get3A_348] {strides = array<i32>} : memref<16384xf32, #tpu.memory_space<vmem>>, vector<16xf32>,
      %add3A_350 = arith.constant 117 : i32
      %add3A_351 = vector.broadcast %add3A_350 : i32 to vector<16xi32>
      %add3A_352 = arith.addi %mul3A_54, %add3A_351 : vector<16xi32>
      %scatter3A_353 = tpu.memref_slice %arg22[%mul3A_99] : memref<60416xf32, #tpu.memory_space<vmem>> -> memref<1888xf32, #tpu.memory_space<vmem>>
      tpu.vector_store_idx %scatter3A_353[%add3A_352], %get3A_349 : memref<1888xf32, #tpu.memory_space<vmem>>[vector<16xi32>], vector<16xf32>,
    }
    %scan3A_78 = arith.constant 32 : i32
    %scan3A_79 = arith.constant 0 : i32
    %scan3A_80 = arith.constant 24 : i32
    %scan3A_81 = arith.addi %scan3A_79, %scan3A_80 : i32
    %scan3A_82 = arith.constant 1 : i32
    scf.for %scan3A_91 = %scan3A_79 to %scan3A_81 step %scan3A_82  : i32 {
      %mul3A_92 = arith.constant 1 : i32
      %mul3A_93 = arith.muli %scan3A_91, %mul3A_92 : i32
      %add3A_94 = arith.constant 0 : i32
      %add3A_95 = arith.addi %add3A_94, %mul3A_93 : i32
      %mul3A_96 = arith.constant 16 : i32
      %mul3A_97 = arith.muli %add3A_95, %mul3A_96 : i32
      %get3A = arith.index_cast %mul3A_97 : i32 to index
      %get3A_98 = tpu.vector_load %arg17[%get3A] {strides = array<i32>} : memref<688xf32, #tpu.memory_space<vmem>>, vector<16xf32>,
      %mul3A_99 = arith.constant 16 : i32
      %mul3A_100 = arith.muli %add3A_95, %mul3A_99 : i32
      %get3A_101 = arith.index_cast %mul3A_100 : i32 to index
      %get3A_102 = tpu.vector_load %arg18[%get3A_101] {strides = array<i32>} : memref<1376xi32, #tpu.memory_space<vmem>>, vector<16xi32>,
      %add3A_103 = arith.constant 43 : i32
      %add3A_104 = arith.addi %add3A_103, %add3A_95 : i32
      %mul3A_105 = arith.constant 16 : i32
      %mul3A_106 = arith.muli %add3A_104, %mul3A_105 : i32
      %get3A_107 = arith.index_cast %mul3A_106 : i32 to index
      %get3A_108 = tpu.vector_load %arg18[%get3A_107] {strides = array<i32>} : memref<1376xi32, #tpu.memory_space<vmem>>, vector<16xi32>,
      %scan3A_109 = arith.constant 0 : i32
      %scan3A_110 = arith.constant 32 : i32
      %scan3A_111 = arith.addi %scan3A_109, %scan3A_110 : i32
      %scan3A_112 = arith.constant 1 : i32
      scf.for %scan3A_119 = %scan3A_109 to %scan3A_111 step %scan3A_112  : i32 {
        %mul3A_120 = arith.constant 1 : i32
        %mul3A_121 = arith.muli %scan3A_119, %mul3A_120 : i32
        %add3A_122 = arith.constant 0 : i32
        %add3A_123 = arith.addi %add3A_122, %mul3A_121 : i32
        %mul3A_124 = arith.constant 16 : i32
        %mul3A_125 = arith.muli %add3A_123, %mul3A_124 : i32
        %get3A_126 = arith.index_cast %mul3A_125 : i32 to index
        %get3A_127 = tpu.vector_load %arg10[%get3A_126] {strides = array<i32>} : memref<512xf32, #tpu.memory_space<vmem>>, vector<16xf32>,
        %mul3A_128 = arith.mulf %get3A_127, %get3A_98 : vector<16xf32>
        %get3A_129 = arith.index_cast %mul3A_125 : i32 to index
        %get3A_130 = tpu.vector_load %arg11[%get3A_129] {strides = array<i32>} : memref<512xf32, #tpu.memory_space<vmem>>, vector<16xf32>,
        %mul3A_131 = arith.mulf %get3A_130, %get3A_98 : vector<16xf32>
        %get3A_132 = arith.index_cast %mul3A_125 : i32 to index
        %get3A_133 = tpu.vector_load %arg12[%get3A_132] {strides = array<i32>} : memref<512xf32, #tpu.memory_space<vmem>>, vector<16xf32>,
        %mul3A_134 = arith.mulf %get3A_133, %get3A_98 : vector<16xf32>
        %convert_element_type3A = arith.fptoui %mul3A_128 : vector<16xf32> to vector<16xi32>
        %convert_element_type3A_135 = arith.fptoui %mul3A_131 : vector<16xf32> to vector<16xi32>
        %convert_element_type3A_136 = arith.fptoui %mul3A_134 : vector<16xf32> to vector<16xi32>
        %convert_element_type3A_137 = arith.uitofp %convert_element_type3A : vector<16xi32> to vector<16xf32>
        %sub3A_138 = arith.subf %mul3A_128, %convert_element_type3A_137 : vector<16xf32>
        %convert_element_type3A_139 = arith.uitofp %convert_element_type3A_135 : vector<16xi32> to vector<16xf32>
        %sub3A_140 = arith.subf %mul3A_131, %convert_element_type3A_139 : vector<16xf32>
        %convert_element_type3A_141 = arith.uitofp %convert_element_type3A_136 : vector<16xi32> to vector<16xf32>
        %sub3A_142 = arith.subf %mul3A_134, %convert_element_type3A_141 : vector<16xf32>
        %add3A_143 = arith.addi %convert_element_type3A, %broadcast_in_dim3A_63 : vector<16xi32>
        %mul3A_144 = arith.muli %convert_element_type3A_135, %broadcast_in_dim3A_67 : vector<16xi32>
        %add3A_145 = arith.addi %mul3A_144, %broadcast_in_dim3A_67 : vector<16xi32>
        %mul3A_146 = arith.muli %convert_element_type3A_136, %broadcast_in_dim3A_69 : vector<16xi32>
        %add3A_147 = arith.addi %mul3A_146, %broadcast_in_dim3A_69 : vector<16xi32>
        %sub3A_148 = arith.subf %broadcast_in_dim3A_65, %sub3A_138 : vector<16xf32>
        %sub3A_149 = arith.subf %broadcast_in_dim3A_65, %sub3A_140 : vector<16xf32>
        %sub3A_150 = arith.subf %broadcast_in_dim3A_65, %sub3A_142 : vector<16xf32>
        %mul3A_151 = arith.mulf %sub3A_148, %sub3A_149 : vector<16xf32>
        %mul3A_152 = arith.mulf %sub3A_138, %sub3A_149 : vector<16xf32>
        %mul3A_153 = arith.mulf %sub3A_148, %sub3A_140 : vector<16xf32>
        %mul3A_154 = arith.mulf %sub3A_138, %sub3A_140 : vector<16xf32>
        %xor3A = arith.xori %convert_element_type3A, %mul3A_144 : vector<16xi32>
        %xor3A_155 = arith.xori %xor3A, %mul3A_146 : vector<16xi32>
        %and3A_156 = arith.andi %xor3A_155, %broadcast_in_dim3A_59 : vector<16xi32>
        %shift_right_logical3A = arith.constant 7 : i32
        %shift_right_logical3A_157 = vector.broadcast %shift_right_logical3A : i32 to vector<16xi32>
        %shift_right_logical3A_158 = arith.shrui %and3A_156, %shift_right_logical3A_157 : vector<16xi32>
        %shift_left3A = arith.constant 8 : i32
        %shift_left3A_159 = vector.broadcast %shift_left3A : i32 to vector<16xi32>
        %shift_left3A_160 = arith.shli %shift_right_logical3A_158, %shift_left3A_159 : vector<16xi32>
        %and3A_161 = arith.constant 127 : i32
        %and3A_162 = vector.broadcast %and3A_161 : i32 to vector<16xi32>
        %and3A_163 = arith.andi %and3A_156, %and3A_162 : vector<16xi32>
        %add3A_164 = arith.addi %shift_left3A_160, %and3A_163 : vector<16xi32>
        %add3A_165 = arith.addi %add3A_164, %get3A_102 : vector<16xi32>
        %add3A_166 = arith.constant 0 : i32
        %add3A_167 = arith.addi %add3A_166, %mul3A_125 : i32
        %mul3A_168 = arith.constant 2 : i32
        %mul3A_169 = arith.muli %add3A_167, %mul3A_168 : i32
        %scatter3A = tpu.memref_slice %arg19[%mul3A_169] : memref<8192xi32, #tpu.memory_space<vmem>> -> memref<32xi32, #tpu.memory_space<vmem>>
        tpu.vector_store_idx %scatter3A[%mul3A_51], %add3A_165 : memref<32xi32, #tpu.memory_space<vmem>>[vector<16xi32>], vector<16xi32>,
        %add3A_170 = arith.constant 1 : i32
        %add3A_171 = vector.broadcast %add3A_170 : i32 to vector<16xi32>
        %add3A_172 = arith.addi %mul3A_51, %add3A_171 : vector<16xi32>
        %add3A_173 = arith.constant 128 : i32
        %add3A_174 = vector.broadcast %add3A_173 : i32 to vector<16xi32>
        %add3A_175 = arith.addi %add3A_165, %add3A_174 : vector<16xi32>
        %scatter3A_176 = tpu.memref_slice %arg19[%mul3A_169] : memref<8192xi32, #tpu.memory_space<vmem>> -> memref<32xi32, #tpu.memory_space<vmem>>
        tpu.vector_store_idx %scatter3A_176[%add3A_172], %add3A_175 : memref<32xi32, #tpu.memory_space<vmem>>[vector<16xi32>], vector<16xi32>,
        %mul3A_177 = arith.mulf %mul3A_151, %sub3A_150 : vector<16xf32>
        %add3A_178 = arith.constant 0 : i32
        %add3A_179 = arith.addi %add3A_178, %mul3A_125 : i32
        %swap3A = arith.index_cast %add3A_179 : i32 to index
        %swap3A_180 = tpu.vector_load %arg20[%swap3A] {strides = array<i32>} : memref<4096xf32, #tpu.memory_space<vmem>>, vector<16xf32>,
        tpu.vector_store %arg20[%swap3A], %mul3A_177 {strides = array<i32>} : memref<4096xf32, #tpu.memory_space<vmem>>, vector<16xf32>,
        %xor3A_181 = arith.xori %add3A_143, %mul3A_144 : vector<16xi32>
        %xor3A_182 = arith.xori %xor3A_181, %mul3A_146 : vector<16xi32>
        %and3A_183 = arith.andi %xor3A_182, %broadcast_in_dim3A_59 : vector<16xi32>
        %shift_right_logical3A_184 = arith.constant 7 : i32
        %shift_right_logical3A_185 = vector.broadcast %shift_right_logical3A_184 : i32 to vector<16xi32>
        %shift_right_logical3A_186 = arith.shrui %and3A_183, %shift_right_logical3A_185 : vector<16xi32>
        %shift_left3A_187 = arith.constant 8 : i32
        %shift_left3A_188 = vector.broadcast %shift_left3A_187 : i32 to vector<16xi32>
        %shift_left3A_189 = arith.shli %shift_right_logical3A_186, %shift_left3A_188 : vector<16xi32>
        %and3A_190 = arith.constant 127 : i32
        %and3A_191 = vector.broadcast %and3A_190 : i32 to vector<16xi32>
        %and3A_192 = arith.andi %and3A_183, %and3A_191 : vector<16xi32>
        %add3A_193 = arith.addi %shift_left3A_189, %and3A_192 : vector<16xi32>
        %add3A_194 = arith.addi %add3A_193, %get3A_102 : vector<16xi32>
        %add3A_195 = arith.constant 512 : i32
        %add3A_196 = arith.addi %add3A_195, %mul3A_125 : i32
        %mul3A_197 = arith.constant 2 : i32
        %mul3A_198 = arith.muli %add3A_196, %mul3A_197 : i32
        %scatter3A_199 = tpu.memref_slice %arg19[%mul3A_198] : memref<8192xi32, #tpu.memory_space<vmem>> -> memref<32xi32, #tpu.memory_space<vmem>>
        tpu.vector_store_idx %scatter3A_199[%mul3A_51], %add3A_194 : memref<32xi32, #tpu.memory_space<vmem>>[vector<16xi32>], vector<16xi32>,
        %add3A_200 = arith.constant 1 : i32
        %add3A_201 = vector.broadcast %add3A_200 : i32 to vector<16xi32>
        %add3A_202 = arith.addi %mul3A_51, %add3A_201 : vector<16xi32>
        %add3A_203 = arith.constant 128 : i32
        %add3A_204 = vector.broadcast %add3A_203 : i32 to vector<16xi32>
        %add3A_205 = arith.addi %add3A_194, %add3A_204 : vector<16xi32>
        %scatter3A_206 = tpu.memref_slice %arg19[%mul3A_198] : memref<8192xi32, #tpu.memory_space<vmem>> -> memref<32xi32, #tpu.memory_space<vmem>>
        tpu.vector_store_idx %scatter3A_206[%add3A_202], %add3A_205 : memref<32xi32, #tpu.memory_space<vmem>>[vector<16xi32>], vector<16xi32>,
        %mul3A_207 = arith.mulf %mul3A_152, %sub3A_150 : vector<16xf32>
        %add3A_208 = arith.constant 512 : i32
        %add3A_209 = arith.addi %add3A_208, %mul3A_125 : i32
        %swap3A_210 = arith.index_cast %add3A_209 : i32 to index
        %swap3A_211 = tpu.vector_load %arg20[%swap3A_210] {strides = array<i32>} : memref<4096xf32, #tpu.memory_space<vmem>>, vector<16xf32>,
        tpu.vector_store %arg20[%swap3A_210], %mul3A_207 {strides = array<i32>} : memref<4096xf32, #tpu.memory_space<vmem>>, vector<16xf32>,
        %xor3A_212 = arith.xori %convert_element_type3A, %add3A_145 : vector<16xi32>
        %xor3A_213 = arith.xori %xor3A_212, %mul3A_146 : vector<16xi32>
        %and3A_214 = arith.andi %xor3A_213, %broadcast_in_dim3A_59 : vector<16xi32>
        %shift_right_logical3A_215 = arith.constant 7 : i32
        %shift_right_logical3A_216 = vector.broadcast %shift_right_logical3A_215 : i32 to vector<16xi32>
        %shift_right_logical3A_217 = arith.shrui %and3A_214, %shift_right_logical3A_216 : vector<16xi32>
        %shift_left3A_218 = arith.constant 8 : i32
        %shift_left3A_219 = vector.broadcast %shift_left3A_218 : i32 to vector<16xi32>
        %shift_left3A_220 = arith.shli %shift_right_logical3A_217, %shift_left3A_219 : vector<16xi32>
        %and3A_221 = arith.constant 127 : i32
        %and3A_222 = vector.broadcast %and3A_221 : i32 to vector<16xi32>
        %and3A_223 = arith.andi %and3A_214, %and3A_222 : vector<16xi32>
        %add3A_224 = arith.addi %shift_left3A_220, %and3A_223 : vector<16xi32>
        %add3A_225 = arith.addi %add3A_224, %get3A_102 : vector<16xi32>
        %add3A_226 = arith.constant 1024 : i32
        %add3A_227 = arith.addi %add3A_226, %mul3A_125 : i32
        %mul3A_228 = arith.constant 2 : i32
        %mul3A_229 = arith.muli %add3A_227, %mul3A_228 : i32
        %scatter3A_230 = tpu.memref_slice %arg19[%mul3A_229] : memref<8192xi32, #tpu.memory_space<vmem>> -> memref<32xi32, #tpu.memory_space<vmem>>
        tpu.vector_store_idx %scatter3A_230[%mul3A_51], %add3A_225 : memref<32xi32, #tpu.memory_space<vmem>>[vector<16xi32>], vector<16xi32>,
        %add3A_231 = arith.constant 1 : i32
        %add3A_232 = vector.broadcast %add3A_231 : i32 to vector<16xi32>
        %add3A_233 = arith.addi %mul3A_51, %add3A_232 : vector<16xi32>
        %add3A_234 = arith.constant 128 : i32
        %add3A_235 = vector.broadcast %add3A_234 : i32 to vector<16xi32>
        %add3A_236 = arith.addi %add3A_225, %add3A_235 : vector<16xi32>
        %scatter3A_237 = tpu.memref_slice %arg19[%mul3A_229] : memref<8192xi32, #tpu.memory_space<vmem>> -> memref<32xi32, #tpu.memory_space<vmem>>
        tpu.vector_store_idx %scatter3A_237[%add3A_233], %add3A_236 : memref<32xi32, #tpu.memory_space<vmem>>[vector<16xi32>], vector<16xi32>,
        %mul3A_238 = arith.mulf %mul3A_153, %sub3A_150 : vector<16xf32>
        %add3A_239 = arith.constant 1024 : i32
        %add3A_240 = arith.addi %add3A_239, %mul3A_125 : i32
        %swap3A_241 = arith.index_cast %add3A_240 : i32 to index
        %swap3A_242 = tpu.vector_load %arg20[%swap3A_241] {strides = array<i32>} : memref<4096xf32, #tpu.memory_space<vmem>>, vector<16xf32>,
        tpu.vector_store %arg20[%swap3A_241], %mul3A_238 {strides = array<i32>} : memref<4096xf32, #tpu.memory_space<vmem>>, vector<16xf32>,
        %xor3A_243 = arith.xori %add3A_143, %add3A_145 : vector<16xi32>
        %xor3A_244 = arith.xori %xor3A_243, %mul3A_146 : vector<16xi32>
        %and3A_245 = arith.andi %xor3A_244, %broadcast_in_dim3A_59 : vector<16xi32>
        %shift_right_logical3A_246 = arith.constant 7 : i32
        %shift_right_logical3A_247 = vector.broadcast %shift_right_logical3A_246 : i32 to vector<16xi32>
        %shift_right_logical3A_248 = arith.shrui %and3A_245, %shift_right_logical3A_247 : vector<16xi32>
        %shift_left3A_249 = arith.constant 8 : i32
        %shift_left3A_250 = vector.broadcast %shift_left3A_249 : i32 to vector<16xi32>
        %shift_left3A_251 = arith.shli %shift_right_logical3A_248, %shift_left3A_250 : vector<16xi32>
        %and3A_252 = arith.constant 127 : i32
        %and3A_253 = vector.broadcast %and3A_252 : i32 to vector<16xi32>
        %and3A_254 = arith.andi %and3A_245, %and3A_253 : vector<16xi32>
        %add3A_255 = arith.addi %shift_left3A_251, %and3A_254 : vector<16xi32>
        %add3A_256 = arith.addi %add3A_255, %get3A_102 : vector<16xi32>
        %add3A_257 = arith.constant 1536 : i32
        %add3A_258 = arith.addi %add3A_257, %mul3A_125 : i32
        %mul3A_259 = arith.constant 2 : i32
        %mul3A_260 = arith.muli %add3A_258, %mul3A_259 : i32
        %scatter3A_261 = tpu.memref_slice %arg19[%mul3A_260] : memref<8192xi32, #tpu.memory_space<vmem>> -> memref<32xi32, #tpu.memory_space<vmem>>
        tpu.vector_store_idx %scatter3A_261[%mul3A_51], %add3A_256 : memref<32xi32, #tpu.memory_space<vmem>>[vector<16xi32>], vector<16xi32>,
        %add3A_262 = arith.constant 1 : i32
        %add3A_263 = vector.broadcast %add3A_262 : i32 to vector<16xi32>
        %add3A_264 = arith.addi %mul3A_51, %add3A_263 : vector<16xi32>
        %add3A_265 = arith.constant 128 : i32
        %add3A_266 = vector.broadcast %add3A_265 : i32 to vector<16xi32>
        %add3A_267 = arith.addi %add3A_256, %add3A_266 : vector<16xi32>
        %scatter3A_268 = tpu.memref_slice %arg19[%mul3A_260] : memref<8192xi32, #tpu.memory_space<vmem>> -> memref<32xi32, #tpu.memory_space<vmem>>
        tpu.vector_store_idx %scatter3A_268[%add3A_264], %add3A_267 : memref<32xi32, #tpu.memory_space<vmem>>[vector<16xi32>], vector<16xi32>,
        %mul3A_269 = arith.mulf %mul3A_154, %sub3A_150 : vector<16xf32>
        %add3A_270 = arith.constant 1536 : i32
        %add3A_271 = arith.addi %add3A_270, %mul3A_125 : i32
        %swap3A_272 = arith.index_cast %add3A_271 : i32 to index
        %swap3A_273 = tpu.vector_load %arg20[%swap3A_272] {strides = array<i32>} : memref<4096xf32, #tpu.memory_space<vmem>>, vector<16xf32>,
        tpu.vector_store %arg20[%swap3A_272], %mul3A_269 {strides = array<i32>} : memref<4096xf32, #tpu.memory_space<vmem>>, vector<16xf32>,
        %xor3A_274 = arith.xori %convert_element_type3A, %mul3A_144 : vector<16xi32>
        %xor3A_275 = arith.xori %xor3A_274, %add3A_147 : vector<16xi32>
        %and3A_276 = arith.andi %xor3A_275, %broadcast_in_dim3A_59 : vector<16xi32>
        %shift_right_logical3A_277 = arith.constant 7 : i32
        %shift_right_logical3A_278 = vector.broadcast %shift_right_logical3A_277 : i32 to vector<16xi32>
        %shift_right_logical3A_279 = arith.shrui %and3A_276, %shift_right_logical3A_278 : vector<16xi32>
        %shift_left3A_280 = arith.constant 8 : i32
        %shift_left3A_281 = vector.broadcast %shift_left3A_280 : i32 to vector<16xi32>
        %shift_left3A_282 = arith.shli %shift_right_logical3A_279, %shift_left3A_281 : vector<16xi32>
        %and3A_283 = arith.constant 127 : i32
        %and3A_284 = vector.broadcast %and3A_283 : i32 to vector<16xi32>
        %and3A_285 = arith.andi %and3A_276, %and3A_284 : vector<16xi32>
        %add3A_286 = arith.addi %shift_left3A_282, %and3A_285 : vector<16xi32>
        %add3A_287 = arith.addi %add3A_286, %get3A_102 : vector<16xi32>
        %add3A_288 = arith.constant 2048 : i32
        %add3A_289 = arith.addi %add3A_288, %mul3A_125 : i32
        %mul3A_290 = arith.constant 2 : i32
        %mul3A_291 = arith.muli %add3A_289, %mul3A_290 : i32
        %scatter3A_292 = tpu.memref_slice %arg19[%mul3A_291] : memref<8192xi32, #tpu.memory_space<vmem>> -> memref<32xi32, #tpu.memory_space<vmem>>
        tpu.vector_store_idx %scatter3A_292[%mul3A_51], %add3A_287 : memref<32xi32, #tpu.memory_space<vmem>>[vector<16xi32>], vector<16xi32>,
        %add3A_293 = arith.constant 1 : i32
        %add3A_294 = vector.broadcast %add3A_293 : i32 to vector<16xi32>
        %add3A_295 = arith.addi %mul3A_51, %add3A_294 : vector<16xi32>
        %add3A_296 = arith.constant 128 : i32
        %add3A_297 = vector.broadcast %add3A_296 : i32 to vector<16xi32>
        %add3A_298 = arith.addi %add3A_287, %add3A_297 : vector<16xi32>
        %scatter3A_299 = tpu.memref_slice %arg19[%mul3A_291] : memref<8192xi32, #tpu.memory_space<vmem>> -> memref<32xi32, #tpu.memory_space<vmem>>
        tpu.vector_store_idx %scatter3A_299[%add3A_295], %add3A_298 : memref<32xi32, #tpu.memory_space<vmem>>[vector<16xi32>], vector<16xi32>,
        %mul3A_300 = arith.mulf %mul3A_151, %sub3A_142 : vector<16xf32>
        %add3A_301 = arith.constant 2048 : i32
        %add3A_302 = arith.addi %add3A_301, %mul3A_125 : i32
        %swap3A_303 = arith.index_cast %add3A_302 : i32 to index
        %swap3A_304 = tpu.vector_load %arg20[%swap3A_303] {strides = array<i32>} : memref<4096xf32, #tpu.memory_space<vmem>>, vector<16xf32>,
        tpu.vector_store %arg20[%swap3A_303], %mul3A_300 {strides = array<i32>} : memref<4096xf32, #tpu.memory_space<vmem>>, vector<16xf32>,
        %xor3A_305 = arith.xori %add3A_143, %mul3A_144 : vector<16xi32>
        %xor3A_306 = arith.xori %xor3A_305, %add3A_147 : vector<16xi32>
        %and3A_307 = arith.andi %xor3A_306, %broadcast_in_dim3A_59 : vector<16xi32>
        %shift_right_logical3A_308 = arith.constant 7 : i32
        %shift_right_logical3A_309 = vector.broadcast %shift_right_logical3A_308 : i32 to vector<16xi32>
        %shift_right_logical3A_310 = arith.shrui %and3A_307, %shift_right_logical3A_309 : vector<16xi32>
        %shift_left3A_311 = arith.constant 8 : i32
        %shift_left3A_312 = vector.broadcast %shift_left3A_311 : i32 to vector<16xi32>
        %shift_left3A_313 = arith.shli %shift_right_logical3A_310, %shift_left3A_312 : vector<16xi32>
        %and3A_314 = arith.constant 127 : i32
        %and3A_315 = vector.broadcast %and3A_314 : i32 to vector<16xi32>
        %and3A_316 = arith.andi %and3A_307, %and3A_315 : vector<16xi32>
        %add3A_317 = arith.addi %shift_left3A_313, %and3A_316 : vector<16xi32>
        %add3A_318 = arith.addi %add3A_317, %get3A_102 : vector<16xi32>
        %add3A_319 = arith.constant 2560 : i32
        %add3A_320 = arith.addi %add3A_319, %mul3A_125 : i32
        %mul3A_321 = arith.constant 2 : i32
        %mul3A_322 = arith.muli %add3A_320, %mul3A_321 : i32
        %scatter3A_323 = tpu.memref_slice %arg19[%mul3A_322] : memref<8192xi32, #tpu.memory_space<vmem>> -> memref<32xi32, #tpu.memory_space<vmem>>
        tpu.vector_store_idx %scatter3A_323[%mul3A_51], %add3A_318 : memref<32xi32, #tpu.memory_space<vmem>>[vector<16xi32>], vector<16xi32>,
        %add3A_324 = arith.constant 1 : i32
        %add3A_325 = vector.broadcast %add3A_324 : i32 to vector<16xi32>
        %add3A_326 = arith.addi %mul3A_51, %add3A_325 : vector<16xi32>
        %add3A_327 = arith.constant 128 : i32
        %add3A_328 = vector.broadcast %add3A_327 : i32 to vector<16xi32>
        %add3A_329 = arith.addi %add3A_318, %add3A_328 : vector<16xi32>
        %scatter3A_330 = tpu.memref_slice %arg19[%mul3A_322] : memref<8192xi32, #tpu.memory_space<vmem>> -> memref<32xi32, #tpu.memory_space<vmem>>
        tpu.vector_store_idx %scatter3A_330[%add3A_326], %add3A_329 : memref<32xi32, #tpu.memory_space<vmem>>[vector<16xi32>], vector<16xi32>,
        %mul3A_331 = arith.mulf %mul3A_152, %sub3A_142 : vector<16xf32>
        %add3A_332 = arith.constant 2560 : i32
        %add3A_333 = arith.addi %add3A_332, %mul3A_125 : i32
        %swap3A_334 = arith.index_cast %add3A_333 : i32 to index
        %swap3A_335 = tpu.vector_load %arg20[%swap3A_334] {strides = array<i32>} : memref<4096xf32, #tpu.memory_space<vmem>>, vector<16xf32>,
        tpu.vector_store %arg20[%swap3A_334], %mul3A_331 {strides = array<i32>} : memref<4096xf32, #tpu.memory_space<vmem>>, vector<16xf32>,
        %xor3A_336 = arith.xori %convert_element_type3A, %add3A_145 : vector<16xi32>
        %xor3A_337 = arith.xori %xor3A_336, %add3A_147 : vector<16xi32>
        %and3A_338 = arith.andi %xor3A_337, %broadcast_in_dim3A_59 : vector<16xi32>
        %shift_right_logical3A_339 = arith.constant 7 : i32
        %shift_right_logical3A_340 = vector.broadcast %shift_right_logical3A_339 : i32 to vector<16xi32>
        %shift_right_logical3A_341 = arith.shrui %and3A_338, %shift_right_logical3A_340 : vector<16xi32>
        %shift_left3A_342 = arith.constant 8 : i32
        %shift_left3A_343 = vector.broadcast %shift_left3A_342 : i32 to vector<16xi32>
        %shift_left3A_344 = arith.shli %shift_right_logical3A_341, %shift_left3A_343 : vector<16xi32>
        %and3A_345 = arith.constant 127 : i32
        %and3A_346 = vector.broadcast %and3A_345 : i32 to vector<16xi32>
        %and3A_347 = arith.andi %and3A_338, %and3A_346 : vector<16xi32>
        %add3A_348 = arith.addi %shift_left3A_344, %and3A_347 : vector<16xi32>
        %add3A_349 = arith.addi %add3A_348, %get3A_102 : vector<16xi32>
        %add3A_350 = arith.constant 3072 : i32
        %add3A_351 = arith.addi %add3A_350, %mul3A_125 : i32
        %mul3A_352 = arith.constant 2 : i32
        %mul3A_353 = arith.muli %add3A_351, %mul3A_352 : i32
        %scatter3A_354 = tpu.memref_slice %arg19[%mul3A_353] : memref<8192xi32, #tpu.memory_space<vmem>> -> memref<32xi32, #tpu.memory_space<vmem>>
        tpu.vector_store_idx %scatter3A_354[%mul3A_51], %add3A_349 : memref<32xi32, #tpu.memory_space<vmem>>[vector<16xi32>], vector<16xi32>,
        %add3A_355 = arith.constant 1 : i32
        %add3A_356 = vector.broadcast %add3A_355 : i32 to vector<16xi32>
        %add3A_357 = arith.addi %mul3A_51, %add3A_356 : vector<16xi32>
        %add3A_358 = arith.constant 128 : i32
        %add3A_359 = vector.broadcast %add3A_358 : i32 to vector<16xi32>
        %add3A_360 = arith.addi %add3A_349, %add3A_359 : vector<16xi32>
        %scatter3A_361 = tpu.memref_slice %arg19[%mul3A_353] : memref<8192xi32, #tpu.memory_space<vmem>> -> memref<32xi32, #tpu.memory_space<vmem>>
        tpu.vector_store_idx %scatter3A_361[%add3A_357], %add3A_360 : memref<32xi32, #tpu.memory_space<vmem>>[vector<16xi32>], vector<16xi32>,
        %mul3A_362 = arith.mulf %mul3A_153, %sub3A_142 : vector<16xf32>
        %add3A_363 = arith.constant 3072 : i32
        %add3A_364 = arith.addi %add3A_363, %mul3A_125 : i32
        %swap3A_365 = arith.index_cast %add3A_364 : i32 to index
        %swap3A_366 = tpu.vector_load %arg20[%swap3A_365] {strides = array<i32>} : memref<4096xf32, #tpu.memory_space<vmem>>, vector<16xf32>,
        tpu.vector_store %arg20[%swap3A_365], %mul3A_362 {strides = array<i32>} : memref<4096xf32, #tpu.memory_space<vmem>>, vector<16xf32>,
        %xor3A_367 = arith.xori %add3A_143, %add3A_145 : vector<16xi32>
        %xor3A_368 = arith.xori %xor3A_367, %add3A_147 : vector<16xi32>
        %and3A_369 = arith.andi %xor3A_368, %broadcast_in_dim3A_59 : vector<16xi32>
        %shift_right_logical3A_370 = arith.constant 7 : i32
        %shift_right_logical3A_371 = vector.broadcast %shift_right_logical3A_370 : i32 to vector<16xi32>
        %shift_right_logical3A_372 = arith.shrui %and3A_369, %shift_right_logical3A_371 : vector<16xi32>
        %shift_left3A_373 = arith.constant 8 : i32
        %shift_left3A_374 = vector.broadcast %shift_left3A_373 : i32 to vector<16xi32>
        %shift_left3A_375 = arith.shli %shift_right_logical3A_372, %shift_left3A_374 : vector<16xi32>
        %and3A_376 = arith.constant 127 : i32
        %and3A_377 = vector.broadcast %and3A_376 : i32 to vector<16xi32>
        %and3A_378 = arith.andi %and3A_369, %and3A_377 : vector<16xi32>
        %add3A_379 = arith.addi %shift_left3A_375, %and3A_378 : vector<16xi32>
        %add3A_380 = arith.addi %add3A_379, %get3A_102 : vector<16xi32>
        %add3A_381 = arith.constant 3584 : i32
        %add3A_382 = arith.addi %add3A_381, %mul3A_125 : i32
        %mul3A_383 = arith.constant 2 : i32
        %mul3A_384 = arith.muli %add3A_382, %mul3A_383 : i32
        %scatter3A_385 = tpu.memref_slice %arg19[%mul3A_384] : memref<8192xi32, #tpu.memory_space<vmem>> -> memref<32xi32, #tpu.memory_space<vmem>>
        tpu.vector_store_idx %scatter3A_385[%mul3A_51], %add3A_380 : memref<32xi32, #tpu.memory_space<vmem>>[vector<16xi32>], vector<16xi32>,
        %add3A_386 = arith.constant 1 : i32
        %add3A_387 = vector.broadcast %add3A_386 : i32 to vector<16xi32>
        %add3A_388 = arith.addi %mul3A_51, %add3A_387 : vector<16xi32>
        %add3A_389 = arith.constant 128 : i32
        %add3A_390 = vector.broadcast %add3A_389 : i32 to vector<16xi32>
        %add3A_391 = arith.addi %add3A_380, %add3A_390 : vector<16xi32>
        %scatter3A_392 = tpu.memref_slice %arg19[%mul3A_384] : memref<8192xi32, #tpu.memory_space<vmem>> -> memref<32xi32, #tpu.memory_space<vmem>>
        tpu.vector_store_idx %scatter3A_392[%add3A_388], %add3A_391 : memref<32xi32, #tpu.memory_space<vmem>>[vector<16xi32>], vector<16xi32>,
        %mul3A_393 = arith.mulf %mul3A_154, %sub3A_142 : vector<16xf32>
        %add3A_394 = arith.constant 3584 : i32
        %add3A_395 = arith.addi %add3A_394, %mul3A_125 : i32
        %swap3A_396 = arith.index_cast %add3A_395 : i32 to index
        %swap3A_397 = tpu.vector_load %arg20[%swap3A_396] {strides = array<i32>} : memref<4096xf32, #tpu.memory_space<vmem>>, vector<16xf32>,
        tpu.vector_store %arg20[%swap3A_396], %mul3A_393 {strides = array<i32>} : memref<4096xf32, #tpu.memory_space<vmem>>, vector<16xf32>,
      }
      %scan3A_113 = arith.constant 32 : i32
      "tpu.region"() ({
        %run_scoped3A_119 = tpu.sem_alloc : memref<!tpu.dma_semaphore, #tpu.memory_space<semaphore_mem>>
        %dma_start3A = arith.constant 0 : i32
        %dma_start3A_120 = tpu.memref_slice %arg5[%dma_start3A] : memref<201326592xf32, #tpu.memory_space<hbm>> -> memref<201326592xf32, #tpu.memory_space<hbm>>
        tpu.enqueue_indirect_dma source(%dma_start3A_120 : memref<201326592xf32, #tpu.memory_space<hbm>>) target(%arg21 : memref<8192xf32, #tpu.memory_space<vmem>>) offsets(%arg19 : memref<8192xi32, #tpu.memory_space<vmem>>) semaphore(%run_scoped3A_119 : memref<!tpu.dma_semaphore, #tpu.memory_space<semaphore_mem>>)
        %dma_wait3A = arith.constant 0 : i32
        %dma_wait3A_121 = tpu.memref_slice %arg5[%dma_wait3A] : memref<201326592xf32, #tpu.memory_space<hbm>> -> memref<201326592xf32, #tpu.memory_space<hbm>>
        tpu.wait_indirect_dma semaphore(%run_scoped3A_119 : memref<!tpu.dma_semaphore, #tpu.memory_space<semaphore_mem>>) src(%dma_wait3A_121 : memref<201326592xf32, #tpu.memory_space<hbm>>) dst(%arg21 : memref<8192xf32, #tpu.memory_space<vmem>>)
        tpu.yield
      }) : () -> ()
      %scan3A_114 = arith.constant 0 : i32
      %scan3A_115 = arith.constant 64 : i32
      %scan3A_116 = arith.addi %scan3A_114, %scan3A_115 : i32
      %scan3A_117 = arith.constant 1 : i32
      scf.for %scan3A_119 = %scan3A_114 to %scan3A_116 step %scan3A_117  : i32 {
        %mul3A_120 = arith.constant 1 : i32
        %mul3A_121 = arith.muli %scan3A_119, %mul3A_120 : i32
        %add3A_122 = arith.constant 0 : i32
        %add3A_123 = arith.addi %add3A_122, %mul3A_121 : i32
        %mul3A_124 = arith.constant 8 : i32
        %mul3A_125 = arith.muli %add3A_123, %mul3A_124 : i32
        %broadcast_in_dim3A_126 = arith.constant 0.000000e+00 : f32
        %broadcast_in_dim3A_127 = vector.broadcast %broadcast_in_dim3A_126 : f32 to vector<16xf32>
        %add3A_128 = arith.constant 0 : i32
        %add3A_129 = arith.addi %add3A_128, %mul3A_125 : i32
        %mul3A_130 = arith.constant 2 : i32
        %mul3A_131 = arith.muli %add3A_129, %mul3A_130 : i32
        %get3A_132 = arith.index_cast %mul3A_131 : i32 to index
        %get3A_133 = tpu.vector_load %arg21[%get3A_132] {strides = array<i32>} : memref<8192xf32, #tpu.memory_space<vmem>>, vector<16xf32>,
        %add3A_134 = arith.constant 0 : i32
        %add3A_135 = arith.addi %add3A_134, %mul3A_125 : i32
        %gather3A = tpu.memref_slice %arg20[%add3A_135] : memref<4096xf32, #tpu.memory_space<vmem>> -> memref<8xf32, #tpu.memory_space<vmem>>
        %gather3A_136 = tpu.vector_load_idx %gather3A[%select_n3A] : memref<8xf32, #tpu.memory_space<vmem>>[vector<16xi32>], vector<16xf32>,
        %mul3A_137 = arith.mulf %get3A_133, %gather3A_136 : vector<16xf32>
        %add3A_138 = arith.addf %broadcast_in_dim3A_127, %mul3A_137 : vector<16xf32>
        %add3A_139 = arith.constant 512 : i32
        %add3A_140 = arith.addi %add3A_139, %mul3A_125 : i32
        %mul3A_141 = arith.constant 2 : i32
        %mul3A_142 = arith.muli %add3A_140, %mul3A_141 : i32
        %get3A_143 = arith.index_cast %mul3A_142 : i32 to index
        %get3A_144 = tpu.vector_load %arg21[%get3A_143] {strides = array<i32>} : memref<8192xf32, #tpu.memory_space<vmem>>, vector<16xf32>,
        %add3A_145 = arith.constant 512 : i32
        %add3A_146 = arith.addi %add3A_145, %mul3A_125 : i32
        %gather3A_147 = tpu.memref_slice %arg20[%add3A_146] : memref<4096xf32, #tpu.memory_space<vmem>> -> memref<8xf32, #tpu.memory_space<vmem>>
        %gather3A_148 = tpu.vector_load_idx %gather3A_147[%select_n3A] : memref<8xf32, #tpu.memory_space<vmem>>[vector<16xi32>], vector<16xf32>,
        %mul3A_149 = arith.mulf %get3A_144, %gather3A_148 : vector<16xf32>
        %add3A_150 = arith.addf %add3A_138, %mul3A_149 : vector<16xf32>
        %add3A_151 = arith.constant 1024 : i32
        %add3A_152 = arith.addi %add3A_151, %mul3A_125 : i32
        %mul3A_153 = arith.constant 2 : i32
        %mul3A_154 = arith.muli %add3A_152, %mul3A_153 : i32
        %get3A_155 = arith.index_cast %mul3A_154 : i32 to index
        %get3A_156 = tpu.vector_load %arg21[%get3A_155] {strides = array<i32>} : memref<8192xf32, #tpu.memory_space<vmem>>, vector<16xf32>,
        %add3A_157 = arith.constant 1024 : i32
        %add3A_158 = arith.addi %add3A_157, %mul3A_125 : i32
        %gather3A_159 = tpu.memref_slice %arg20[%add3A_158] : memref<4096xf32, #tpu.memory_space<vmem>> -> memref<8xf32, #tpu.memory_space<vmem>>
        %gather3A_160 = tpu.vector_load_idx %gather3A_159[%select_n3A] : memref<8xf32, #tpu.memory_space<vmem>>[vector<16xi32>], vector<16xf32>,
        %mul3A_161 = arith.mulf %get3A_156, %gather3A_160 : vector<16xf32>
        %add3A_162 = arith.addf %add3A_150, %mul3A_161 : vector<16xf32>
        %add3A_163 = arith.constant 1536 : i32
        %add3A_164 = arith.addi %add3A_163, %mul3A_125 : i32
        %mul3A_165 = arith.constant 2 : i32
        %mul3A_166 = arith.muli %add3A_164, %mul3A_165 : i32
        %get3A_167 = arith.index_cast %mul3A_166 : i32 to index
        %get3A_168 = tpu.vector_load %arg21[%get3A_167] {strides = array<i32>} : memref<8192xf32, #tpu.memory_space<vmem>>, vector<16xf32>,
        %add3A_169 = arith.constant 1536 : i32
        %add3A_170 = arith.addi %add3A_169, %mul3A_125 : i32
        %gather3A_171 = tpu.memref_slice %arg20[%add3A_170] : memref<4096xf32, #tpu.memory_space<vmem>> -> memref<8xf32, #tpu.memory_space<vmem>>
        %gather3A_172 = tpu.vector_load_idx %gather3A_171[%select_n3A] : memref<8xf32, #tpu.memory_space<vmem>>[vector<16xi32>], vector<16xf32>,
        %mul3A_173 = arith.mulf %get3A_168, %gather3A_172 : vector<16xf32>
        %add3A_174 = arith.addf %add3A_162, %mul3A_173 : vector<16xf32>
        %add3A_175 = arith.constant 2048 : i32
        %add3A_176 = arith.addi %add3A_175, %mul3A_125 : i32
        %mul3A_177 = arith.constant 2 : i32
        %mul3A_178 = arith.muli %add3A_176, %mul3A_177 : i32
        %get3A_179 = arith.index_cast %mul3A_178 : i32 to index
        %get3A_180 = tpu.vector_load %arg21[%get3A_179] {strides = array<i32>} : memref<8192xf32, #tpu.memory_space<vmem>>, vector<16xf32>,
        %add3A_181 = arith.constant 2048 : i32
        %add3A_182 = arith.addi %add3A_181, %mul3A_125 : i32
        %gather3A_183 = tpu.memref_slice %arg20[%add3A_182] : memref<4096xf32, #tpu.memory_space<vmem>> -> memref<8xf32, #tpu.memory_space<vmem>>
        %gather3A_184 = tpu.vector_load_idx %gather3A_183[%select_n3A] : memref<8xf32, #tpu.memory_space<vmem>>[vector<16xi32>], vector<16xf32>,
        %mul3A_185 = arith.mulf %get3A_180, %gather3A_184 : vector<16xf32>
        %add3A_186 = arith.addf %add3A_174, %mul3A_185 : vector<16xf32>
        %add3A_187 = arith.constant 2560 : i32
        %add3A_188 = arith.addi %add3A_187, %mul3A_125 : i32
        %mul3A_189 = arith.constant 2 : i32
        %mul3A_190 = arith.muli %add3A_188, %mul3A_189 : i32
        %get3A_191 = arith.index_cast %mul3A_190 : i32 to index
        %get3A_192 = tpu.vector_load %arg21[%get3A_191] {strides = array<i32>} : memref<8192xf32, #tpu.memory_space<vmem>>, vector<16xf32>,
        %add3A_193 = arith.constant 2560 : i32
        %add3A_194 = arith.addi %add3A_193, %mul3A_125 : i32
        %gather3A_195 = tpu.memref_slice %arg20[%add3A_194] : memref<4096xf32, #tpu.memory_space<vmem>> -> memref<8xf32, #tpu.memory_space<vmem>>
        %gather3A_196 = tpu.vector_load_idx %gather3A_195[%select_n3A] : memref<8xf32, #tpu.memory_space<vmem>>[vector<16xi32>], vector<16xf32>,
        %mul3A_197 = arith.mulf %get3A_192, %gather3A_196 : vector<16xf32>
        %add3A_198 = arith.addf %add3A_186, %mul3A_197 : vector<16xf32>
        %add3A_199 = arith.constant 3072 : i32
        %add3A_200 = arith.addi %add3A_199, %mul3A_125 : i32
        %mul3A_201 = arith.constant 2 : i32
        %mul3A_202 = arith.muli %add3A_200, %mul3A_201 : i32
        %get3A_203 = arith.index_cast %mul3A_202 : i32 to index
        %get3A_204 = tpu.vector_load %arg21[%get3A_203] {strides = array<i32>} : memref<8192xf32, #tpu.memory_space<vmem>>, vector<16xf32>,
        %add3A_205 = arith.constant 3072 : i32
        %add3A_206 = arith.addi %add3A_205, %mul3A_125 : i32
        %gather3A_207 = tpu.memref_slice %arg20[%add3A_206] : memref<4096xf32, #tpu.memory_space<vmem>> -> memref<8xf32, #tpu.memory_space<vmem>>
        %gather3A_208 = tpu.vector_load_idx %gather3A_207[%select_n3A] : memref<8xf32, #tpu.memory_space<vmem>>[vector<16xi32>], vector<16xf32>,
        %mul3A_209 = arith.mulf %get3A_204, %gather3A_208 : vector<16xf32>
        %add3A_210 = arith.addf %add3A_198, %mul3A_209 : vector<16xf32>
        %add3A_211 = arith.constant 3584 : i32
        %add3A_212 = arith.addi %add3A_211, %mul3A_125 : i32
        %mul3A_213 = arith.constant 2 : i32
        %mul3A_214 = arith.muli %add3A_212, %mul3A_213 : i32
        %get3A_215 = arith.index_cast %mul3A_214 : i32 to index
        %get3A_216 = tpu.vector_load %arg21[%get3A_215] {strides = array<i32>} : memref<8192xf32, #tpu.memory_space<vmem>>, vector<16xf32>,
        %add3A_217 = arith.constant 3584 : i32
        %add3A_218 = arith.addi %add3A_217, %mul3A_125 : i32
        %gather3A_219 = tpu.memref_slice %arg20[%add3A_218] : memref<4096xf32, #tpu.memory_space<vmem>> -> memref<8xf32, #tpu.memory_space<vmem>>
        %gather3A_220 = tpu.vector_load_idx %gather3A_219[%select_n3A] : memref<8xf32, #tpu.memory_space<vmem>>[vector<16xi32>], vector<16xf32>,
        %mul3A_221 = arith.mulf %get3A_216, %gather3A_220 : vector<16xf32>
        %add3A_222 = arith.addf %add3A_210, %mul3A_221 : vector<16xf32>
        %mul3A_223 = arith.constant 118 : i32
        %mul3A_224 = arith.muli %mul3A_125, %mul3A_223 : i32
        %add3A_225 = arith.addi %add3A_58, %get3A_108 : vector<16xi32>
        %scatter3A = tpu.memref_slice %arg22[%mul3A_224] : memref<60416xf32, #tpu.memory_space<vmem>> -> memref<944xf32, #tpu.memory_space<vmem>>
        tpu.vector_store_idx %scatter3A[%add3A_225], %add3A_222 : memref<944xf32, #tpu.memory_space<vmem>>[vector<16xi32>], vector<16xf32>,
      }
      %scan3A_118 = arith.constant 64 : i32
    }
    %scan3A_83 = arith.constant 24 : i32
    %scan3A_84 = arith.constant 0 : i32
    %scan3A_85 = arith.constant 19 : i32
    %scan3A_86 = arith.addi %scan3A_84, %scan3A_85 : i32
    %scan3A_87 = arith.constant 1 : i32
    scf.for %scan3A_91 = %scan3A_84 to %scan3A_86 step %scan3A_87  : i32 {
      %mul3A_92 = arith.constant 1 : i32
      %mul3A_93 = arith.muli %scan3A_91, %mul3A_92 : i32
      %add3A_94 = arith.constant 0 : i32
      %add3A_95 = arith.addi %add3A_94, %mul3A_93 : i32
      %add3A_96 = arith.constant 24 : i32
      %add3A_97 = arith.addi %add3A_96, %add3A_95 : i32
      %mul3A_98 = arith.constant 16 : i32
      %mul3A_99 = arith.muli %add3A_97, %mul3A_98 : i32
      %get3A = arith.index_cast %mul3A_99 : i32 to index
      %get3A_100 = tpu.vector_load %arg17[%get3A] {strides = array<i32>} : memref<688xf32, #tpu.memory_space<vmem>>, vector<16xf32>,
      %add3A_101 = arith.constant 24 : i32
      %add3A_102 = arith.addi %add3A_101, %add3A_95 : i32
      %mul3A_103 = arith.constant 16 : i32
      %mul3A_104 = arith.muli %add3A_102, %mul3A_103 : i32
      %get3A_105 = arith.index_cast %mul3A_104 : i32 to index
      %get3A_106 = tpu.vector_load %arg18[%get3A_105] {strides = array<i32>} : memref<1376xi32, #tpu.memory_space<vmem>>, vector<16xi32>,
      %add3A_107 = arith.constant 67 : i32
      %add3A_108 = arith.addi %add3A_107, %add3A_95 : i32
      %mul3A_109 = arith.constant 16 : i32
      %mul3A_110 = arith.muli %add3A_108, %mul3A_109 : i32
      %get3A_111 = arith.index_cast %mul3A_110 : i32 to index
      %get3A_112 = tpu.vector_load %arg18[%get3A_111] {strides = array<i32>} : memref<1376xi32, #tpu.memory_space<vmem>>, vector<16xi32>,
      %scan3A_113 = arith.constant 0 : i32
      %scan3A_114 = arith.constant 32 : i32
      %scan3A_115 = arith.addi %scan3A_113, %scan3A_114 : i32
      %scan3A_116 = arith.constant 1 : i32
      scf.for %scan3A_123 = %scan3A_113 to %scan3A_115 step %scan3A_116  : i32 {
        %mul3A_124 = arith.constant 1 : i32
        %mul3A_125 = arith.muli %scan3A_123, %mul3A_124 : i32
        %add3A_126 = arith.constant 0 : i32
        %add3A_127 = arith.addi %add3A_126, %mul3A_125 : i32
        %mul3A_128 = arith.constant 16 : i32
        %mul3A_129 = arith.muli %add3A_127, %mul3A_128 : i32
        %get3A_130 = arith.index_cast %mul3A_129 : i32 to index
        %get3A_131 = tpu.vector_load %arg13[%get3A_130] {strides = array<i32>} : memref<512xf32, #tpu.memory_space<vmem>>, vector<16xf32>,
        %mul3A_132 = arith.mulf %get3A_131, %get3A_100 : vector<16xf32>
        %convert_element_type3A = arith.fptoui %mul3A_132 : vector<16xf32> to vector<16xi32>
        %convert_element_type3A_133 = arith.uitofp %convert_element_type3A : vector<16xi32> to vector<16xf32>
        %sub3A_134 = arith.subf %mul3A_132, %convert_element_type3A_133 : vector<16xf32>
        %mul3A_135 = arith.muli %convert_element_type3A, %broadcast_in_dim3A_67 : vector<16xi32>
        %add3A_136 = arith.addi %mul3A_135, %broadcast_in_dim3A_67 : vector<16xi32>
        %and3A_137 = arith.andi %mul3A_135, %broadcast_in_dim3A_61 : vector<16xi32>
        %and3A_138 = arith.andi %add3A_136, %broadcast_in_dim3A_61 : vector<16xi32>
        %shift_right_logical3A = arith.constant 7 : i32
        %shift_right_logical3A_139 = vector.broadcast %shift_right_logical3A : i32 to vector<16xi32>
        %shift_right_logical3A_140 = arith.shrui %and3A_137, %shift_right_logical3A_139 : vector<16xi32>
        %shift_left3A = arith.constant 8 : i32
        %shift_left3A_141 = vector.broadcast %shift_left3A : i32 to vector<16xi32>
        %shift_left3A_142 = arith.shli %shift_right_logical3A_140, %shift_left3A_141 : vector<16xi32>
        %and3A_143 = arith.constant 127 : i32
        %and3A_144 = vector.broadcast %and3A_143 : i32 to vector<16xi32>
        %and3A_145 = arith.andi %and3A_137, %and3A_144 : vector<16xi32>
        %add3A_146 = arith.addi %shift_left3A_142, %and3A_145 : vector<16xi32>
        %add3A_147 = arith.addi %add3A_146, %get3A_106 : vector<16xi32>
        %shift_right_logical3A_148 = arith.constant 7 : i32
        %shift_right_logical3A_149 = vector.broadcast %shift_right_logical3A_148 : i32 to vector<16xi32>
        %shift_right_logical3A_150 = arith.shrui %and3A_138, %shift_right_logical3A_149 : vector<16xi32>
        %shift_left3A_151 = arith.constant 8 : i32
        %shift_left3A_152 = vector.broadcast %shift_left3A_151 : i32 to vector<16xi32>
        %shift_left3A_153 = arith.shli %shift_right_logical3A_150, %shift_left3A_152 : vector<16xi32>
        %and3A_154 = arith.constant 127 : i32
        %and3A_155 = vector.broadcast %and3A_154 : i32 to vector<16xi32>
        %and3A_156 = arith.andi %and3A_138, %and3A_155 : vector<16xi32>
        %add3A_157 = arith.addi %shift_left3A_153, %and3A_156 : vector<16xi32>
        %add3A_158 = arith.addi %add3A_157, %get3A_106 : vector<16xi32>
        %mul3A_159 = arith.constant 2 : i32
        %mul3A_160 = arith.muli %mul3A_159, %mul3A_129 : i32
        %scatter3A = tpu.memref_slice %arg19[%mul3A_160] : memref<8192xi32, #tpu.memory_space<vmem>> -> memref<32xi32, #tpu.memory_space<vmem>>
        tpu.vector_store_idx %scatter3A[%mul3A_51], %add3A_147 : memref<32xi32, #tpu.memory_space<vmem>>[vector<16xi32>], vector<16xi32>,
        %add3A_161 = arith.constant 1 : i32
        %add3A_162 = vector.broadcast %add3A_161 : i32 to vector<16xi32>
        %add3A_163 = arith.addi %mul3A_51, %add3A_162 : vector<16xi32>
        %add3A_164 = arith.constant 128 : i32
        %add3A_165 = vector.broadcast %add3A_164 : i32 to vector<16xi32>
        %add3A_166 = arith.addi %add3A_147, %add3A_165 : vector<16xi32>
        %scatter3A_167 = tpu.memref_slice %arg19[%mul3A_160] : memref<8192xi32, #tpu.memory_space<vmem>> -> memref<32xi32, #tpu.memory_space<vmem>>
        tpu.vector_store_idx %scatter3A_167[%add3A_163], %add3A_166 : memref<32xi32, #tpu.memory_space<vmem>>[vector<16xi32>], vector<16xi32>,
        %add3A_168 = arith.constant 512 : i32
        %add3A_169 = arith.addi %add3A_168, %mul3A_129 : i32
        %mul3A_170 = arith.constant 2 : i32
        %mul3A_171 = arith.muli %mul3A_170, %add3A_169 : i32
        %scatter3A_172 = tpu.memref_slice %arg19[%mul3A_171] : memref<8192xi32, #tpu.memory_space<vmem>> -> memref<32xi32, #tpu.memory_space<vmem>>
        tpu.vector_store_idx %scatter3A_172[%mul3A_51], %add3A_158 : memref<32xi32, #tpu.memory_space<vmem>>[vector<16xi32>], vector<16xi32>,
        %add3A_173 = arith.constant 1 : i32
        %add3A_174 = vector.broadcast %add3A_173 : i32 to vector<16xi32>
        %add3A_175 = arith.addi %mul3A_51, %add3A_174 : vector<16xi32>
        %add3A_176 = arith.constant 128 : i32
        %add3A_177 = vector.broadcast %add3A_176 : i32 to vector<16xi32>
        %add3A_178 = arith.addi %add3A_158, %add3A_177 : vector<16xi32>
        %scatter3A_179 = tpu.memref_slice %arg19[%mul3A_171] : memref<8192xi32, #tpu.memory_space<vmem>> -> memref<32xi32, #tpu.memory_space<vmem>>
        tpu.vector_store_idx %scatter3A_179[%add3A_175], %add3A_178 : memref<32xi32, #tpu.memory_space<vmem>>[vector<16xi32>], vector<16xi32>,
        %swap3A = arith.index_cast %mul3A_129 : i32 to index
        %swap3A_180 = tpu.vector_load %arg20[%swap3A] {strides = array<i32>} : memref<4096xf32, #tpu.memory_space<vmem>>, vector<16xf32>,
        tpu.vector_store %arg20[%swap3A], %sub3A_134 {strides = array<i32>} : memref<4096xf32, #tpu.memory_space<vmem>>, vector<16xf32>,
      }
      %scan3A_117 = arith.constant 32 : i32
      "tpu.region"() ({
        %run_scoped3A_123 = tpu.sem_alloc : memref<!tpu.dma_semaphore, #tpu.memory_space<semaphore_mem>>
        %dma_start3A = arith.constant 0 : i32
        %dma_start3A_124 = tpu.memref_slice %arg21[%dma_start3A] : memref<8192xf32, #tpu.memory_space<vmem>> -> memref<2048xf32, #tpu.memory_space<vmem>>
        %dma_start3A_125 = arith.constant 0 : i32
        %dma_start3A_126 = tpu.memref_slice %arg19[%dma_start3A_125] : memref<8192xi32, #tpu.memory_space<vmem>> -> memref<2048xi32, #tpu.memory_space<vmem>>
        %dma_start3A_127 = arith.constant 0 : i32
        %dma_start3A_128 = tpu.memref_slice %arg6[%dma_start3A_127] : memref<9961472xf32, #tpu.memory_space<hbm>> -> memref<9961472xf32, #tpu.memory_space<hbm>>
        tpu.enqueue_indirect_dma source(%dma_start3A_128 : memref<9961472xf32, #tpu.memory_space<hbm>>) target(%dma_start3A_124 : memref<2048xf32, #tpu.memory_space<vmem>>) offsets(%dma_start3A_126 : memref<2048xi32, #tpu.memory_space<vmem>>) semaphore(%run_scoped3A_123 : memref<!tpu.dma_semaphore, #tpu.memory_space<semaphore_mem>>)
        %dma_wait3A = arith.constant 0 : i32
        %dma_wait3A_129 = tpu.memref_slice %arg21[%dma_wait3A] : memref<8192xf32, #tpu.memory_space<vmem>> -> memref<2048xf32, #tpu.memory_space<vmem>>
        %dma_wait3A_130 = arith.constant 0 : i32
        %dma_wait3A_131 = tpu.memref_slice %arg19[%dma_wait3A_130] : memref<8192xi32, #tpu.memory_space<vmem>> -> memref<2048xi32, #tpu.memory_space<vmem>>
        %dma_wait3A_132 = arith.constant 0 : i32
        %dma_wait3A_133 = tpu.memref_slice %arg6[%dma_wait3A_132] : memref<9961472xf32, #tpu.memory_space<hbm>> -> memref<9961472xf32, #tpu.memory_space<hbm>>
        tpu.wait_indirect_dma semaphore(%run_scoped3A_123 : memref<!tpu.dma_semaphore, #tpu.memory_space<semaphore_mem>>) src(%dma_wait3A_133 : memref<9961472xf32, #tpu.memory_space<hbm>>) dst(%dma_wait3A_129 : memref<2048xf32, #tpu.memory_space<vmem>>)
        tpu.yield
      }) : () -> ()
      %scan3A_118 = arith.constant 0 : i32
      %scan3A_119 = arith.constant 64 : i32
      %scan3A_120 = arith.addi %scan3A_118, %scan3A_119 : i32
      %scan3A_121 = arith.constant 1 : i32
      scf.for %scan3A_123 = %scan3A_118 to %scan3A_120 step %scan3A_121  : i32 {
        %mul3A_124 = arith.constant 1 : i32
        %mul3A_125 = arith.muli %scan3A_123, %mul3A_124 : i32
        %add3A_126 = arith.constant 0 : i32
        %add3A_127 = arith.addi %add3A_126, %mul3A_125 : i32
        %mul3A_128 = arith.constant 8 : i32
        %mul3A_129 = arith.muli %add3A_127, %mul3A_128 : i32
        %gather3A = tpu.memref_slice %arg20[%mul3A_129] : memref<4096xf32, #tpu.memory_space<vmem>> -> memref<8xf32, #tpu.memory_space<vmem>>
        %gather3A_130 = tpu.vector_load_idx %gather3A[%select_n3A] : memref<8xf32, #tpu.memory_space<vmem>>[vector<16xi32>], vector<16xf32>,
        %mul3A_131 = arith.constant 2 : i32
        %mul3A_132 = arith.muli %mul3A_129, %mul3A_131 : i32
        %get3A_133 = arith.index_cast %mul3A_132 : i32 to index
        %get3A_134 = tpu.vector_load %arg21[%get3A_133] {strides = array<i32>} : memref<8192xf32, #tpu.memory_space<vmem>>, vector<16xf32>,
        %add3A_135 = arith.constant 512 : i32
        %add3A_136 = arith.addi %add3A_135, %mul3A_129 : i32
        %mul3A_137 = arith.constant 2 : i32
        %mul3A_138 = arith.muli %add3A_136, %mul3A_137 : i32
        %get3A_139 = arith.index_cast %mul3A_138 : i32 to index
        %get3A_140 = tpu.vector_load %arg21[%get3A_139] {strides = array<i32>} : memref<8192xf32, #tpu.memory_space<vmem>>, vector<16xf32>,
        %mul3A_141 = arith.constant 118 : i32
        %mul3A_142 = arith.muli %mul3A_129, %mul3A_141 : i32
        %add3A_143 = arith.addi %add3A_58, %get3A_112 : vector<16xi32>
        %sub3A_144 = arith.subf %broadcast_in_dim3A_65, %gather3A_130 : vector<16xf32>
        %mul3A_145 = arith.mulf %get3A_134, %sub3A_144 : vector<16xf32>
        %mul3A_146 = arith.mulf %get3A_140, %gather3A_130 : vector<16xf32>
        %add3A_147 = arith.addf %mul3A_145, %mul3A_146 : vector<16xf32>
        %scatter3A = tpu.memref_slice %arg22[%mul3A_142] : memref<60416xf32, #tpu.memory_space<vmem>> -> memref<944xf32, #tpu.memory_space<vmem>>
        tpu.vector_store_idx %scatter3A[%add3A_143], %add3A_147 : memref<944xf32, #tpu.memory_space<vmem>>[vector<16xi32>], vector<16xf32>,
      }
      %scan3A_122 = arith.constant 64 : i32
    }
    %scan3A_88 = arith.constant 19 : i32
    %mul3A_89 = arith.constant 118 : i32
    %mul3A_90 = arith.muli %mul3A_2, %mul3A_89 : i32
    "tpu.region"() ({
      %run_scoped3A_91 = tpu.sem_alloc : memref<!tpu.dma_semaphore, #tpu.memory_space<semaphore_mem>>
      %dma_start3A = tpu.memref_slice %arg9[%mul3A_90] : memref<1933312xf32, #tpu.memory_space<hbm>> -> memref<60416xf32, #tpu.memory_space<hbm>>
      %dma_start3A_92 = tpu.memref_slice %arg9[%mul3A_90] : memref<1933312xf32, #tpu.memory_space<hbm>> -> memref<60416xf32, #tpu.memory_space<hbm>>
      tpu.enqueue_dma source(%arg22 : memref<60416xf32, #tpu.memory_space<vmem>>) target(%dma_start3A_92 : memref<60416xf32, #tpu.memory_space<hbm>>) target_semaphore(%run_scoped3A_91 : memref<!tpu.dma_semaphore, #tpu.memory_space<semaphore_mem>>)
      %dma_wait3A = tpu.memref_slice %arg9[%mul3A_90] : memref<1933312xf32, #tpu.memory_space<hbm>> -> memref<60416xf32, #tpu.memory_space<hbm>>
      %dma_wait3A_93 = tpu.memref_slice %arg9[%mul3A_90] : memref<1933312xf32, #tpu.memory_space<hbm>> -> memref<60416xf32, #tpu.memory_space<hbm>>
      tpu.wait_dma2 semaphore(%run_scoped3A_91 : memref<!tpu.dma_semaphore, #tpu.memory_space<semaphore_mem>>) src(%arg22 : memref<60416xf32, #tpu.memory_space<vmem>>) dst(%dma_wait3A_93 : memref<60416xf32, #tpu.memory_space<hbm>>)
      tpu.yield
    }) : () -> ()
    return
  }
}

module attributes {stable_mosaic.version = 14 : i64} {
  func.func @_mlp_body(%arg0: i32, %arg1: memref<2048x118xf32, #tpu.memory_space<vmem>>, %arg2: memref<118x256xf32, #tpu.memory_space<vmem>>, %arg3: memref<1x256xf32, #tpu.memory_space<vmem>>, %arg4: memref<256x128xf32, #tpu.memory_space<vmem>>, %arg5: memref<1x128xf32, #tpu.memory_space<vmem>>, %arg6: memref<128x1xf32, #tpu.memory_space<vmem>>, %arg7: memref<1x1xf32, #tpu.memory_space<vmem>>, %arg8: memref<2048x1xf32, #tpu.memory_space<vmem>>) attributes {dimension_semantics = [#tpu.dimension_semantics<arbitrary>], iteration_bounds = array<i64: 8>, scalar_prefetch = 0 : i64, scratch_operands = 0 : i64, tpu.core_type = #tpu.core_type<tc>, window_params = [{transform_indices = @transform_0, window_bounds = array<i64: 2048, 118>}, {pipeline_mode = #tpu.pipeline_mode<synchronous>, transform_indices = @transform_1, window_bounds = array<i64: 118, 256>}, {pipeline_mode = #tpu.pipeline_mode<synchronous>, transform_indices = @transform_2, window_bounds = array<i64: 1, 256>}, {pipeline_mode = #tpu.pipeline_mode<synchronous>, transform_indices = @transform_3, window_bounds = array<i64: 256, 128>}, {pipeline_mode = #tpu.pipeline_mode<synchronous>, transform_indices = @transform_4, window_bounds = array<i64: 1, 128>}, {pipeline_mode = #tpu.pipeline_mode<synchronous>, transform_indices = @transform_5, window_bounds = array<i64: 128, 1>}, {pipeline_mode = #tpu.pipeline_mode<synchronous>, transform_indices = @transform_6, window_bounds = array<i64: 1, 1>}, {transform_indices = @transform_7, window_bounds = array<i64: 2048, 1>}]} {
    %get3A = arith.constant 0 : index
    %get3A_0 = arith.constant 0 : index
    %get3A_1 = vector.load %arg1[%get3A, %get3A_0] : memref<2048x118xf32, #tpu.memory_space<vmem>>, vector<2048x118xf32>
    %get3A_2 = arith.constant 0 : index
    %get3A_3 = arith.constant 0 : index
    %get3A_4 = vector.load %arg2[%get3A_2, %get3A_3] : memref<118x256xf32, #tpu.memory_space<vmem>>, vector<118x256xf32>
    %dot_general3A = arith.constant dense<0.000000e+00> : vector<2048x256xf32>
    %dot_general3A_5 = tpu.matmul %get3A_1, %get3A_4, %dot_general3A {dimension_numbers = #tpu.dot_dimension_numbers<[1], [0], [0], [1], [0, 0, 1, 1], [], []>, transpose_lhs_hint = false} : vector<2048x118xf32>, vector<118x256xf32>, vector<2048x256xf32> -> vector<2048x256xf32>
    %get3A_6 = arith.constant 0 : index
    %get3A_7 = arith.constant 0 : index
    %get3A_8 = vector.load %arg3[%get3A_6, %get3A_7] : memref<1x256xf32, #tpu.memory_space<vmem>>, vector<1x256xf32>
    %add3A = vector.broadcast %get3A_8 : vector<1x256xf32> to vector<2048x256xf32>
    %add3A_9 = arith.addf %dot_general3A_5, %add3A : vector<2048x256xf32>
    %max3A = arith.constant 0.000000e+00 : f32
    %max3A_10 = vector.broadcast %max3A : f32 to vector<2048x256xf32>
    %max3A_11 = arith.maximumf %add3A_9, %max3A_10 : vector<2048x256xf32>
    %get3A_12 = arith.constant 0 : index
    %get3A_13 = arith.constant 0 : index
    %get3A_14 = vector.load %arg4[%get3A_12, %get3A_13] : memref<256x128xf32, #tpu.memory_space<vmem>>, vector<256x128xf32>
    %dot_general3A_15 = arith.constant dense<0.000000e+00> : vector<2048x128xf32>
    %dot_general3A_16 = tpu.matmul %max3A_11, %get3A_14, %dot_general3A_15 {dimension_numbers = #tpu.dot_dimension_numbers<[1], [0], [0], [1], [0, 0, 1, 1], [], []>, transpose_lhs_hint = false} : vector<2048x256xf32>, vector<256x128xf32>, vector<2048x128xf32> -> vector<2048x128xf32>
    %get3A_17 = arith.constant 0 : index
    %get3A_18 = arith.constant 0 : index
    %get3A_19 = vector.load %arg5[%get3A_17, %get3A_18] : memref<1x128xf32, #tpu.memory_space<vmem>>, vector<1x128xf32>
    %add3A_20 = vector.broadcast %get3A_19 : vector<1x128xf32> to vector<2048x128xf32>
    %add3A_21 = arith.addf %dot_general3A_16, %add3A_20 : vector<2048x128xf32>
    %max3A_22 = arith.constant 0.000000e+00 : f32
    %max3A_23 = vector.broadcast %max3A_22 : f32 to vector<2048x128xf32>
    %max3A_24 = arith.maximumf %add3A_21, %max3A_23 : vector<2048x128xf32>
    %get3A_25 = arith.constant 0 : index
    %get3A_26 = arith.constant 0 : index
    %get3A_27 = vector.load %arg6[%get3A_25, %get3A_26] : memref<128x1xf32, #tpu.memory_space<vmem>>, vector<128x1xf32>
    %dot_general3A_28 = arith.constant dense<0.000000e+00> : vector<2048x1xf32>
    %dot_general3A_29 = tpu.matmul %max3A_24, %get3A_27, %dot_general3A_28 {dimension_numbers = #tpu.dot_dimension_numbers<[1], [0], [0], [1], [0, 0, 1, 1], [], []>, transpose_lhs_hint = false} : vector<2048x128xf32>, vector<128x1xf32>, vector<2048x1xf32> -> vector<2048x1xf32>
    %get3A_30 = arith.constant 0 : index
    %get3A_31 = arith.constant 0 : index
    %get3A_32 = vector.load %arg7[%get3A_30, %get3A_31] : memref<1x1xf32, #tpu.memory_space<vmem>>, vector<1x1xf32>
    %add3A_33 = vector.broadcast %get3A_32 : vector<1x1xf32> to vector<2048x1xf32>
    %add3A_34 = arith.addf %dot_general3A_29, %add3A_33 : vector<2048x1xf32>
    %swap3A = arith.constant 0 : index
    %swap3A_35 = arith.constant 0 : index
    %swap3A_36 = vector.load %arg8[%swap3A, %swap3A_35] : memref<2048x1xf32, #tpu.memory_space<vmem>>, vector<2048x1xf32>
    tpu.vector_store %arg8[%swap3A, %swap3A_35], %add3A_34 {strides = array<i32>} : memref<2048x1xf32, #tpu.memory_space<vmem>>, vector<2048x1xf32>,
    return
  }
  func.func @transform_0(%arg0: i32) -> (i32, i32) {
    %c0_i32 = arith.constant 0 : i32
    %c0_i32_0 = arith.constant 0 : i32
    return %arg0, %c0_i32 : i32, i32
  }
  func.func @transform_1(%arg0: i32) -> (i32, i32) {
    %c0_i32 = arith.constant 0 : i32
    %c0_i32_0 = arith.constant 0 : i32
    %c0_i32_1 = arith.constant 0 : i32
    return %c0_i32, %c0_i32_0 : i32, i32
  }
  func.func @transform_2(%arg0: i32) -> (i32, i32) {
    %c0_i32 = arith.constant 0 : i32
    %c0_i32_0 = arith.constant 0 : i32
    %c0_i32_1 = arith.constant 0 : i32
    return %c0_i32, %c0_i32_0 : i32, i32
  }
  func.func @transform_3(%arg0: i32) -> (i32, i32) {
    %c0_i32 = arith.constant 0 : i32
    %c0_i32_0 = arith.constant 0 : i32
    %c0_i32_1 = arith.constant 0 : i32
    return %c0_i32, %c0_i32_0 : i32, i32
  }
  func.func @transform_4(%arg0: i32) -> (i32, i32) {
    %c0_i32 = arith.constant 0 : i32
    %c0_i32_0 = arith.constant 0 : i32
    %c0_i32_1 = arith.constant 0 : i32
    return %c0_i32, %c0_i32_0 : i32, i32
  }
  func.func @transform_5(%arg0: i32) -> (i32, i32) {
    %c0_i32 = arith.constant 0 : i32
    %c0_i32_0 = arith.constant 0 : i32
    %c0_i32_1 = arith.constant 0 : i32
    return %c0_i32, %c0_i32_0 : i32, i32
  }
  func.func @transform_6(%arg0: i32) -> (i32, i32) {
    %c0_i32 = arith.constant 0 : i32
    %c0_i32_0 = arith.constant 0 : i32
    %c0_i32_1 = arith.constant 0 : i32
    return %c0_i32, %c0_i32_0 : i32, i32
  }
  func.func @transform_7(%arg0: i32) -> (i32, i32) {
    %c0_i32 = arith.constant 0 : i32
    %c0_i32_0 = arith.constant 0 : i32
    return %arg0, %c0_i32 : i32, i32
  }
}

</mosaic_0001>

<sc_bundles>
// kernel: kernel.4.cloned.1.call-start
scs
__scs_entry_jumppad:
0x0: {  	(pc) =	sbr.rel $0x88, $3  }
0x1: {  	(tag) =	ssettag $0x0;
	lr =	simm.s32 $0x1  }
0x2: {  	[smem:$0x3F96] =	sst lr;
	_ =	strace $0xD0000000  }
0x3: {  	_ = 	snop  }
0x4: {  	_ = 	snop  }
0x5: {  	_ = 	snop  }
0x6: {  	_ = 	snop  }
0x7: {  	_ = 	snop  }
__scs_overlays_trampoline_lowered:
0x8: {  	[smem:$0x3FA5] =	sst s0  }
0x9: {  	[smem:$0x3FA6] =	sst s1  }
0xa: {  	[smem:$0x3FA7] =	sst s2  }
0xb: {  	[smem:$0x3FA8] =	sst s3  }
0xc: {  	[smem:$0x3FA9] =	sst s4  }
0xd: {  	[smem:$0x3FAA] =	sst s5  }
0xe: {  	[smem:$0x3FAB] =	sst s6  }
0xf: {  	[smem:$0x3FAC] =	sst s7  }
0x10: {  	[smem:$0x3FAD] =	sst s8  }
0x11: {  	[smem:$0x3FAE] =	sst s9;
	s0 =	simm.s32 @!p0 $0x0  }
0x12: {  	s1 =	sld [smem:$0x3F94];
	s0 =	simm.s32 @p0 $0x1  }
0x13: {  	[smem:$0x3FAF] =	sst s0;
	s0 =	simm.s32 @!p1 $0x0  }
0x14: {  	s2 =	sld [smem:$0x3F93];
	s0 =	simm.s32 @p1 $0x1  }
0x15: {  	[smem:$0x3FB0] =	sst s0;
	s0 =	simm.s32 @!p2 $0x0  }
0x16: {  	s3 =	sld [smem:$0x3FDB];
	s0 =	simm.s32 @p2 $0x1  }
0x17: {  	s4 =	simm.s32 $0x1BF5;
	[smem:$0x3FB2] =	sst s0  }
0x18: {  	s0 =	sld [smem:$0x3F95];
	_ =	swait.ge [sflag:s4], $0x0  }
0x19: {  	s7 =	sld [smem:$0x3F96]  }
0x1a: {  	s8 =	sadd.s32 $0xFFFFE003, lr  }
0x1b: {  	s9 =	sadd.s32 $0xFFFFFEF7, lr;
	s5 =	simm.s32 $0xFFFFFFFF;
	p2 =	slt.u32 s8, $0xFFFFF086  }
0x1c: {  	p1 =	slt.u32 s9, $0xF7A;
	s5 =	simm.s32 @!p2 $0x0  }
0x1d: {  	s5 =	simm.s32 @p1 $0x1;
	p0 =	seq.s32 s7, s2  }
0x1e: {  	s7 =	smul.u32 @!p0 $0xF7A, s2;
	p2 =	seq.s32 @!p0 s5, $0x0  }
0x1f: {  	s9 =	smul.u32 $0xF7A, s1;
	s8 =	simm.s32 @!p0 $0x1BF5;
	p2 =	por !p2, p0  }
0x20: {  	[sflag:s8] =	ssyncset.s32 @!p0 $0xFFFFF086;
	s6 =	sadd.s32 @!p0 s3, s7;
	s7 =	simm.s32 @!p0 $0x108  }
0x21: {  	s3 =	sadd.s32 s3, s9;
	s6 =	sadd.s32 @!p0 $0x88, s6;
	s7 =	simm.s32 @p2 $0x1082  }
0x22: {  	[simem:s7], [sflag:s8] =	dma.local @!p0 [hbm:s6], $0xF7A  }
0x23: {  	s9 =	sor.u32 $0xD0000000, s2;
	s6 =	simm.s32 $0x108;
	_ =	swait.ge @!p0 [sflag:s8], $0x0  }
0x24: {  	s3 =	sadd.s32 $0x88, s3;
	s6 =	simm.s32 @!p1 $0x1082;
	[sflag:s4] =	ssyncset.s32 $0xFFFFF086  }
0x25: {  	[simem:s6], [sflag:s4] =	dma.local [hbm:s3], $0xF7A  }
0x26: {  	[smem:$0x3F96] =	sst s1;
	(tag) =	ssettag s2;
	_ =	strace s9  }
0x27: {  	s1 =	sld [smem:$0x3FA6]  }
0x28: {  	s2 =	sld [smem:$0x3FA7]  }
0x29: {  	s4 =	sld [smem:$0x3FA9]  }
0x2a: {  	p0 =	seq.s32 s5, $0x0;
	s5 =	sld [smem:$0x3FAA]  }
0x2b: {  	s6 =	sld [smem:$0x3FAB]  }
0x2c: {  	s7 =	sld [smem:$0x3FAC]  }
0x2d: {  	s3 =	simm.s32 $0x108;
	s8 =	sld [smem:$0x3FAD]  }
0x2e: {  	s3 =	simm.s32 @!p0 $0x1082;
	s9 =	sld [smem:$0x3FAE]  }
0x2f: {  	lr =	sadd.s32 s0, s3;
	s0 =	sld [smem:$0x3FA5]  }
0x30: {  	s3 =	sld [smem:$0x3FA8]  }
0x31: {  	[smem:$0x3FB1] =	sst s10  }
0x32: {  	s10 =	sld [smem:$0x3FAF];
	_ =	sdelay $0x3  }
0x33: {  	p0 =	seq.s32 s10, $0x1;
	s10 =	sld [smem:$0x3FB1];
	_ =	sdelay $0x3  }
0x34: {  	[smem:$0x3FB1] =	sst s10  }
0x35: {  	s10 =	sld [smem:$0x3FB0];
	_ =	sdelay $0x3  }
0x36: {  	p1 =	seq.s32 s10, $0x1;
	s10 =	sld [smem:$0x3FB1];
	_ =	sdelay $0x3  }
0x37: {  	[smem:$0x3FB1] =	sst s10  }
0x38: {  	s10 =	sld [smem:$0x3FB2]  }
0x39: {  	_ = 	snop;
	(pc) =	sbr.ind lr, $3  }
0x3a: {  	_ = 	snop  }
0x3b: {  	_ = 	snop  }
0x3c: {  	p2 =	seq.s32 s10, $0x1;
	s10 =	sld [smem:$0x3FB1]  }
0x3d: {  	_ =	shalt  }
0x3e: {  	_ =	shalt  }
0x3f: {  	_ =	shalt  }
0x40: {  	_ =	shalt  }
0x41: {  	_ =	shalt  }
0x42: {  	_ =	shalt  }
0x43: {  	_ =	shalt  }
0x44: {  	_ =	shalt  }
0x45: {  	_ =	shalt  }
0x46: {  	_ =	shalt  }
0x47: {  	_ =	shalt  }
0x48: {  	_ =	shalt  }
0x49: {  	_ =	shalt  }
0x4a: {  	_ =	shalt  }
0x4b: {  	_ =	shalt  }
0x4c: {  	_ =	shalt  }
0x4d: {  	_ =	shalt  }
0x4e: {  	_ =	shalt  }
0x4f: {  	_ =	shalt  }
0x50: {  	_ =	shalt  }
0x51: {  	_ =	shalt  }
0x52: {  	_ =	shalt  }
0x53: {  	_ =	shalt  }
0x54: {  	_ =	shalt  }
0x55: {  	_ =	shalt  }
0x56: {  	_ =	shalt  }
0x57: {  	_ =	shalt  }
0x58: {  	_ =	shalt  }
0x59: {  	_ =	shalt  }
0x5a: {  	_ =	shalt  }
0x5b: {  	_ =	shalt  }
0x5c: {  	_ =	shalt  }
0x5d: {  	_ =	shalt  }
0x5e: {  	_ =	shalt  }
0x5f: {  	_ =	shalt  }
0x60: {  	_ =	shalt  }
0x61: {  	_ =	shalt  }
0x62: {  	_ =	shalt  }
0x63: {  	_ =	shalt  }
0x64: {  	_ =	shalt  }
0x65: {  	_ =	shalt  }
0x66: {  	_ =	shalt  }
0x67: {  	_ =	shalt  }
0x68: {  	_ =	shalt  }
0x69: {  	_ =	shalt  }
0x6a: {  	_ =	shalt  }
0x6b: {  	_ =	shalt  }
0x6c: {  	_ =	shalt  }
0x6d: {  	_ =	shalt  }
0x6e: {  	_ =	shalt  }
0x6f: {  	_ =	shalt  }
0x70: {  	_ =	shalt  }
0x71: {  	_ =	shalt  }
0x72: {  	_ =	shalt  }
0x73: {  	_ =	shalt  }
0x74: {  	_ =	shalt  }
0x75: {  	_ =	shalt  }
0x76: {  	_ =	shalt  }
0x77: {  	_ =	shalt  }
0x78: {  	_ =	shalt  }
0x79: {  	_ =	shalt  }
0x7a: {  	_ =	shalt  }
0x7b: {  	_ =	shalt  }
0x7c: {  	_ =	shalt  }
0x7d: {  	_ =	shalt  }
0x7e: {  	_ =	shalt  }
0x7f: {  	_ =	shalt  }
0x80: {  	_ =	shalt  }
0x81: {  	_ =	shalt  }
0x82: {  	_ =	shalt  }
0x83: {  	_ =	shalt  }
0x84: {  	_ =	shalt  }
0x85: {  	_ =	shalt  }
0x86: {  	_ =	shalt  }
0x87: {  	_ =	shalt  }
.Lfunc_end0:
.L_simem_size_0:
called_computation_lowered:
.L_overlay_start_0:
0x88: {  	s2 =	sld [smem:$0x3FD9]  }
0x89: {  	s3 =	sld [smem:$0x3FFE];
	_ =	sdelay $0x1  }
0x8a: {  	s1 =	srdreg.scid  }
0x8b: {  	s0 =	sand.u32 $0x1, s1  }
0x8c: {  	s17 =	sshll.u32 s0, $0xA;
	s2 =	sadd.s32 s3, s2  }
0x8d: {  	s2 =	sadd.s32 s2, s17  }
0x8e: {  	[smem:$0x3FBD] =	sst s2  }
0x8f: {  	_ = 	snop  }
0x90: {  	s2 =	sld [smem:$0x3FC9]  }
0x91: {  	s18 =	sld [smem:$0x3FC8]  }
0x92: {  	s4 =	sld [smem:$0x3FC6]  }
0x93: {  	s5 =	sld [smem:$0x3FC5]  }
0x94: {  	s6 =	sld [smem:$0x3FD0];
	(tm) =	ssettm $0x1  }
0x95: {  	s7 =	sld [smem:$0x3FFB];
	_ =	sdelay $0x3  }
0x96: {  	_ =	strace s7  }
0x97: {  	s7 =	sld [smem:$0x3FFC];
	_ =	sdelay $0x3  }
0x98: {  	_ =	strace s7  }
0x99: {  	s7 =	sld [smem:$0x3FFD];
	_ =	sdelay $0x3  }
0x9a: {  	_ =	strace s7  }
0x9b: {  	_ =	strace $0x8FFFFFFF  }
0x9c: {  	s19 =	sld [smem:$0x3FDB];
	_ =	sdelay $0x1  }
0x9d: {  	s8 =	simm.s32 $_scs_section_size  }
0x9e: {  	s9 =	simm.s32 $_size__tile_overlayer_lowered;
	s10 =	simm.s32 $_tile_overlayer_lowered  }
0x9f: {  	s22 =	simm.s32 $0x1BFF;
	s21 =	sshll.u32 s10, $0x1;
	s7 =	sadd.s32 s8, s19  }
0xa0: {  	s11 =	simm.s32 $0x0;
	s20 =	sshll.u32 s9, $0x1;
	s9 =	sadd.s32 s21, s7  }
0xa1: {  	[timem:s11], [sflag:s22] =	dma.local [hbm:s9], s20  }
0xa2: {  	_ =	swait.ge [sflag:s22], s20  }
0xa3: {  	s8 =	ssub.s32 $0x0, s20;
	[sflag:s22] =	ssyncset.done $0x0  }
0xa4: {  	[sflag:s22] =	ssyncadd.s32 s8;
	_ =	sdelay $0x1  }
0xa5: {  	s23 =	simm.s32 $0x1B8B  }
0xa6: {  	_ =	swait.ge [sflag:s23], $0x1  }
0xa7: {  	[sflag:s23] =	ssyncset.done $0x0  }
0xa8: {  	s25 =	simm.s32 $0x1B8E;
	s24 =	sld [smem:$0x3FFE];
	[sflag:s23] =	ssyncadd.s32 $0xFFFFFFFF  }
0xa9: {  	s26 =	simm.s32 $execute0_lowered;
	[smem:$0x3FD2] =	sst s25  }
0xaa: {  	s9 =	sshll.u32 s26, $0x1;
	_ =	strace $0x80000046;
	[dreg:$0x1] =	wrdreg $0xFFFFFFFF  }
0xab: {  	s28 =	simm.s32 $_size_execute0_lowered;
	s7 =	sadd.s32 s7, s9;
	[dreg:$0x0] =	wrdreg $0x0  }
0xac: {  	s9 =	sshll.u32 s28, $0x1;
	[dreg:$0x2] =	wrdreg s7  }
0xad: {  	[dreg:$0x3] =	wrdreg s9  }
0xae: {  	[dreg:$0x4] =	wrdreg $0xC0  }
0xaf: {  	_ =	task [dreg:s11], $0x5FFFF  }
0xb0: {  	[dreg:$0x1] =	wrdreg $0xFFFFFFFF  }
0xb1: {  	[dreg:$0x0] =	wrdreg $0x60  }
0xb2: {  	[dreg:$0x2] =	wrdreg s2  }
0xb3: {  	[dreg:$0x3] =	wrdreg s18  }
0xb4: {  	[dreg:$0x4] =	wrdreg s24  }
0xb5: {  	[dreg:$0x5] =	wrdreg s4  }
0xb6: {  	[dreg:$0x6] =	wrdreg s5  }
0xb7: {  	[dreg:$0x7] =	wrdreg s6  }
0xb8: {  	[dreg:$0x8] =	wrdreg $0x9  }
0xb9: {  	_ =	task.clear_ibuf [dreg:s11], $0x9FFFF;
	_ =	strace $0x90000046  }
0xba: {  	s29 =	simm.s32 $0x9;
	_ =	strace $0x80000048  }
0xbb: {  	_ =	swait.ge [sflag:s29], $0x1  }
0xbc: {  	[sflag:s29] =	ssyncadd.s32 $0xFFFFFFFF  }
0xbd: {  	_ =	strace $0x90000048  }
0xbe: {  	_ =	sfence  }
0xbf: {  	s30 =	sld [smem:$0x0];
	_ =	sdelay $0x2  }
0xc0: {  	s31 =	sshll.u32 s1, $0xD;
	s1 =	sshrl.u32 s1, $0x2  }
0xc1: {  	s3 =	sand.u32 $0x4000, s31;
	s1 =	sadd.s32 s1, s30  }
0xc2: {  	s0 =	sor.u32 s3, s0;
	s1 =	sshll.u32 s1, $0x11  }
0xc3: {  	s0 =	sor.u32 s1, s0  }
0xc4: {  	s0 =	sadd.s32 $0x8F2B, s0  }
0xc5: {  	[sflag:s0] =	ssyncadd.remote.s32 $0x1  }
0xc6: {  	_ =	sfence.sel $0xFFFF  }
0xc7: {  	[dreg:$0x0] =	wrdreg $0xFFFFFFFF;
	(pc) =	sbr.abs _section_cstart, $3  }
0xc8: {  	[dreg:$0x1] =	wrdreg $0xFFFFFFFF  }
0xc9: {  	_ =	task.clear_ibuf [dreg:s11], $0x2FFFF;
	_ =	strace $0x9FFFFFFF  }
0xca: {  	(tm) =	ssettm $0x7FFFFFFF  }
0xcb: {  	_ =	shalt  }
tec
execute0_lowered:
.L_overlay_start_1:
0x0: {  	(tag) =	ssettag $0x1  }
0x1: {  	v36 =	vlaneseq.u32;
	v19 =	vimm.s32 $0x77760100  }
0x2: {  	vm0 =	vcmask $0xF00;
	vm5 =	vcmask $0x1310;
	vm6 =	vcmask $0x1714  }
0x3: {  	vm7 =	vcmask $0x1B18;
	vm8 =	vcmask $0x1F1C;
	vm9 =	vcmask $0x2320  }
0x4: {  	vm10 =	vcmask $0x2724;
	vm11 =	vcmask $0x2B28;
	v31 =	vmul.u32 $0x76, v36  }
0x5: {  	vm12 =	vcmask $0x2F2C;
	vm13 =	vcmask $0x3330;
	vm14 =	vcmask $0x3734  }
0x6: {  	s3 =	rddreg [dreg:$0x0];
	vm15 =	vcmask $0x3B38;
	v23 =	vunpack.c.0.s8.s32 v19;
	v0 =	vadd.s32 $0x56, v31  }
0x7: {  	s2 =	rddreg [dreg:$0x1];
	v1 =	vadd.s32 $0x57, v31;
	v2 =	vadd.s32 $0x58, v31;
	v3 =	vadd.s32 $0x59, v31  }
0x8: {  	s5 =	rddreg [dreg:$0x2];
	v4 =	vadd.s32 $0x5A, v31;
	v5 =	vadd.s32 $0x5B, v31;
	v24 =	vand.u32 $0xFF, v23  }
0x9: {  	s0 =	rddreg [dreg:$0x3];
	v6 =	vadd.s32 $0x5C, v31;
	v7 =	vadd.s32 $0x5D, v31;
	v25 =	vnsel vm0, $0x33B, v24  }
0xa: {  	s1 =	rddreg [dreg:$0x4];
	v8 =	vadd.s32 $0x5E, v31;
	v9 =	vadd.s32 $0x5F, v31;
	v26 =	vsel vm5, $0xEC, v25  }
0xb: {  	s4 =	simm.s32 $0x0;
	s6 =	srdreg.scid;
	s7 =	stileid.u32;
	v10 =	vadd.s32 $0x60, v31;
	v11 =	vadd.s32 $0x61, v31;
	v27 =	vsel vm6, $0xED, v26  }
0xc: {  	s15 =	simm.s32 $0x80;
	s16 =	simm.s32 $0x200;
	s17 =	simm.s32 $0x1;
	v12 =	vadd.s32 $0x62, v31;
	v13 =	vadd.s32 $0x63, v31;
	v28 =	vsel vm7, $0x162, v27  }
0xd: {  	s28 =	simm.s32 $0x800;
	s30 =	simm.s32 $0x0;
	[smem:$0x7FF] =	sst s4;
	v14 =	vadd.s32 $0x64, v31;
	v15 =	vadd.s32 $0x65, v31;
	v29 =	vsel vm8, $0x163, v28  }
0xe: {  	s6 =	sand.u32 $0x1, s6;
	s7 =	sshll.u32 s7, $0x1;
	s8 =	sadd.s32 $0x187800, s5;
	v16 =	vadd.s32 $0x66, v31;
	v17 =	vadd.s32 $0x67, v31;
	v30 =	vsel vm9, $0x1D8, v29  }
0xf: {  	s10 =	sadd.s32 $0xE00, s5;
	_ =	strace $0x80000047;
	[dreg:$0x7] =	wrdreg s8;
	v18 =	vadd.s32 $0x68, v31;
	v19 =	vadd.s32 $0x69, v31;
	v32 =	vsel vm10, $0x1D9, v30  }
0x10: {  	s7 =	sor.u32 s6, s7;
	s6 =	ssub.s32 $0x2, s6;
	[dreg:$0x8] =	wrdreg s10;
	v20 =	vadd.s32 $0x6A, v31;
	v21 =	vadd.s32 $0x6B, v31;
	v32 =	vsel vm11, $0x24E, v32  }
0x11: {  	v22 =	vadd.s32 $0x6C, v31;
	s9 =	smul.u32 $0x1D80, s7;
	s23 =	sshll.u32 s7, $0x8;
	s24 =	sshrl.u32 s6, $0x1;
	v33 =	vsel vm12, $0x24F, v32;
	v32 =	vmul.u32 $0x2, v36  }
0x12: {  	v23 =	vadd.s32 $0x6D, v31;
	s31 =	sshll.u32 s7, $0x6;
	s8 =	sadd.s32 s3, s23;
	s26 =	ssub.s32 s6, s24;
	v36 =	vshrl.u32 v36, $0x1;
	v34 =	vsel vm13, $0x2C4, v33  }
0x13: {  	v24 =	vadd.s32 $0x6E, v31;
	s12 =	sadd.s32 s2, s31;
	s23 =	simm.s32 $0xA00;
	s24 =	simm.s32 $0x2000;
	v35 =	vsel vm14, $0x2C5, v34;
	v34 =	vor.u32 $0x1, v32  }
0x14: {  	v25 =	vadd.s32 $0x6F, v31;
	s25 =	sadd.s32 s9, s5;
	s29 =	sadd.s32 $0x10, s8;
	s10 =	sadd.s32 $0x20, s8;
	v26 =	vadd.s32 $0x70, v31;
	v27 =	vadd.s32 $0x71, v31  }
0x15: {  	s11 =	sadd.s32 $0x30, s8;
	s14 =	smax.u32 s26, $0x1;
	s26 =	simm.s32 $0xC280;
	v28 =	vadd.s32 $0x72, v31;
	v29 =	vadd.s32 $0x73, v31;
	v30 =	vadd.s32 $0x74, v31  }
0x16: {  	[dreg:$0x9] =	wrdreg s29;
	s13 =	sadd.s32 $0x1000, s25;
	s25 =	simm.s32 $0x9280;
	v31 =	vadd.s32 $0x75, v31;
	v33 =	vimm.f32 $2.147483650e+09;
	v35 =	vsel vm15, $0x33A, v35  }
.LBB2_1:
0x17: {  	[tilespmem:s4], [sflag:$0x1] =	stream.strided.gather [hbm4b:s8+s15], $0x200, s16, s15, $0x38;
	[tilespmem:$0x1CE80] =	vst v63  }
0x18: {  	_ =	swait.ge [sflag:s17], $0x200  }
0x19: {  	[sflag:s17] =	ssyncset.done $0x0  }
0x1a: {  	s2 =	rddreg [dreg:$0x9];
	[sflag:s17] =	ssyncadd.s32 $0xFFFFFE00  }
0x1b: {  	[tilespmem:s16], [sflag:$0x1] =	stream.strided.gather [hbm4b:s2+s15], $0x200, s16, s15, $0x38;
	[tilespmem:$0x1CE80] =	vst v63  }
0x1c: {  	_ =	swait.ge [sflag:s17], $0x200  }
0x1d: {  	[sflag:s17] =	ssyncset.done $0x0  }
0x1e: {  	s19 =	simm.s32 $0x400;
	[sflag:s17] =	ssyncadd.s32 $0xFFFFFE00  }
0x1f: {  	[tilespmem:s19], [sflag:$0x1] =	stream.strided.gather [hbm4b:s10+s15], $0x200, s16, s15, $0x38;
	[tilespmem:$0x1CE80] =	vst v63  }
0x20: {  	_ =	swait.ge [sflag:s17], $0x200  }
0x21: {  	[sflag:s17] =	ssyncset.done $0x0  }
0x22: {  	s20 =	simm.s32 $0x600;
	[sflag:s17] =	ssyncadd.s32 $0xFFFFFE00  }
0x23: {  	[tilespmem:s20], [sflag:$0x1] =	stream.strided.gather [hbm4b:s11+s15], $0x200, s16, s15, $0x38;
	[tilespmem:$0x1CE80] =	vst v63  }
0x24: {  	_ =	swait.ge [sflag:s17], $0x200  }
0x25: {  	[sflag:s17] =	ssyncset.done $0x0  }
0x26: {  	[sflag:s17] =	ssyncadd.s32 $0xFFFFFE00  }
0x27: {  	[tilespmem:s28], [sflag:$0x1] =	stream.linear.gather [hbm4b:s12+s4], $0x200, $0x38;
	[tilespmem:$0x1CE80] =	vst v63  }
0x28: {  	_ =	swait.ge [sflag:s17], $0x200  }
0x29: {  	[sflag:s17] =	ssyncset.done $0x0  }
0x2a: {  	s3 =	simm.s32 $0x8A00;
	s21 =	rddreg [dreg:$0x8];
	[sflag:s17] =	ssyncadd.s32 $0xFFFFFE00  }
0x2b: {  	[tilespmem:s3], [sflag:$0x1] =	stream.linear.gather [hbm4b:s21+s4], $0x300, $0x38;
	[tilespmem:$0x1CE80] =	vst v63  }
0x2c: {  	_ =	swait.ge [sflag:s17], $0x300  }
0x2d: {  	[sflag:s17] =	ssyncset.done $0x0  }
0x2e: {  	[sflag:s17] =	ssyncadd.s32 $0xFFFFFD00  }
0x2f: {  	s29 =	simm.s32 $0x8D00;
	s22 =	rddreg [dreg:$0x5]  }
0x30: {  	[tilespmem:s29], [sflag:$0x1] =	stream.linear.gather [hbm4b:s22+s4], $0x580, $0x38;
	[tilespmem:$0x1CE80] =	vst v63  }
0x31: {  	_ =	swait.ge [sflag:s17], $0x580  }
0x32: {  	[sflag:s17] =	ssyncset.done $0x0  }
0x33: {  	[sflag:s17] =	ssyncadd.s32 $0xFFFFFA80  }
0x34: {  	v37 =	vld [tilespmem:s28+$0x0];
	_ =	sdelay $0x4  }
0x35: {  	v37 =	vshll.u32 v37, $0x5  }
0x36: {  	s31 =	sand.u32 $0x1F0, s4;
	[tilespmem:s23+$0x0] =	vst v37;
	v38 =	vor.u32 $0x17, v37  }
0x37: {  	v39 =	vor.u32 $0x16, v37;
	[tilespmem:s31+$0x3800] =	vst v38  }
0x38: {  	v58 =	vor.u32 $0x15, v37;
	[tilespmem:s31+$0x3600] =	vst v39  }
0x39: {  	v59 =	vor.u32 $0x14, v37;
	[tilespmem:s31+$0x3400] =	vst v58  }
0x3a: {  	v60 =	vor.u32 $0x13, v37;
	[tilespmem:s31+$0x3200] =	vst v59  }
0x3b: {  	v61 =	vor.u32 $0x12, v37;
	[tilespmem:s31+$0x3000] =	vst v60  }
0x3c: {  	v62 =	vor.u32 $0x11, v37;
	[tilespmem:s31+$0x2E00] =	vst v61  }
0x3d: {  	v63 =	vor.u32 $0x10, v37;
	[tilespmem:s31+$0x2C00] =	vst v62  }
0x3e: {  	v42 =	vor.u32 $0xF, v37;
	[tilespmem:s31+$0x2A00] =	vst v63  }
0x3f: {  	v43 =	vor.u32 $0xE, v37;
	[tilespmem:s31+$0x2800] =	vst v42  }
0x40: {  	v44 =	vor.u32 $0xD, v37;
	[tilespmem:s31+$0x2600] =	vst v43  }
0x41: {  	v45 =	vor.u32 $0xC, v37;
	[tilespmem:s31+$0x2400] =	vst v44  }
0x42: {  	v46 =	vor.u32 $0xB, v37;
	[tilespmem:s31+$0x2200] =	vst v45  }
0x43: {  	v47 =	vor.u32 $0xA, v37;
	[tilespmem:s31+$0x2000] =	vst v46  }
0x44: {  	v48 =	vor.u32 $0x9, v37;
	[tilespmem:s31+$0x1E00] =	vst v47  }
0x45: {  	v49 =	vor.u32 $0x8, v37;
	[tilespmem:s31+$0x1C00] =	vst v48  }
0x46: {  	v50 =	vor.u32 $0x7, v37;
	[tilespmem:s31+$0x1A00] =	vst v49  }
0x47: {  	v51 =	vor.u32 $0x6, v37;
	[tilespmem:s31+$0x1800] =	vst v50  }
0x48: {  	v52 =	vor.u32 $0x5, v37;
	[tilespmem:s31+$0x1600] =	vst v51  }
0x49: {  	v53 =	vor.u32 $0x4, v37;
	[tilespmem:s31+$0x1400] =	vst v52  }
0x4a: {  	v54 =	vor.u32 $0x3, v37;
	[tilespmem:s31+$0x1200] =	vst v53  }
0x4b: {  	v55 =	vor.u32 $0x2, v37;
	[tilespmem:s31+$0x1000] =	vst v54  }
0x4c: {  	v56 =	vor.u32 $0x1, v37;
	[tilespmem:s31+$0xE00] =	vst v55  }
0x4d: {  	v57 =	vor.u32 $0x18, v37;
	[tilespmem:s31+$0xC00] =	vst v56  }
0x4e: {  	v58 =	vor.u32 $0x19, v37;
	[tilespmem:s31+$0x3A00] =	vst v57  }
0x4f: {  	v59 =	vor.u32 $0x1A, v37;
	[tilespmem:s31+$0x3C00] =	vst v58  }
0x50: {  	v60 =	vor.u32 $0x1B, v37;
	[tilespmem:s31+$0x3E00] =	vst v59  }
0x51: {  	v61 =	vor.u32 $0x1C, v37;
	[tilespmem:s31+$0x4000] =	vst v60  }
0x52: {  	v62 =	vor.u32 $0x1D, v37;
	[tilespmem:s31+$0x4200] =	vst v61  }
0x53: {  	v63 =	vor.u32 $0x1E, v37;
	[tilespmem:s31+$0x4400] =	vst v62  }
0x54: {  	v37 =	vor.u32 $0x1F, v37;
	[tilespmem:s31+$0x4600] =	vst v63  }
0x55: {  	s2 =	simm.s32 $0x810;
	[tilespmem:s31+$0x4800] =	vst v37  }
0x56: {  	s6 =	simm.s32 $0x20;
	s5 =	simm.s32 $0xA00;
	s3 =	simm.s32 $0x10;
	v37 =	vld [tilespmem:s2+$0x0]  }
.LBB2_2:
0x57: {  	p0 =	sne.s32 s6, $0x1F0;
	_ =	sdelay $0x3  }
0x58: {  	s5 =	sadd.s32 $0x10, s5;
	v37 =	vshll.u32 v37, $0x5  }
0x59: {  	s7 =	sand.u32 $0x1F0, s3;
	s3 =	smov.u32 s6;
	[tilespmem:s5+$0x0] =	vst v37;
	v38 =	vor.u32 $0x15, v37;
	v39 =	vor.u32 $0x16, v37;
	v40 =	vor.u32 $0x17, v37  }
0x5a: {  	v41 =	vor.u32 $0x12, v37;
	v42 =	vor.u32 $0x13, v37;
	v43 =	vor.u32 $0x14, v37;
	[tilespmem:s7+$0x3800] =	vst v40  }
0x5b: {  	v44 =	vor.u32 $0x10, v37;
	v45 =	vor.u32 $0x11, v37;
	v40 =	vor.u32 $0xF, v37;
	[tilespmem:s7+$0x3600] =	vst v39  }
0x5c: {  	v46 =	vor.u32 $0xD, v37;
	v47 =	vor.u32 $0xE, v37;
	v39 =	vor.u32 $0xC, v37;
	[tilespmem:s7+$0x3400] =	vst v38  }
0x5d: {  	v48 =	vor.u32 $0xA, v37;
	v49 =	vor.u32 $0xB, v37;
	v38 =	vor.u32 $0x9, v37;
	[tilespmem:s7+$0x3200] =	vst v43  }
0x5e: {  	v50 =	vor.u32 $0x7, v37;
	v51 =	vor.u32 $0x8, v37;
	v43 =	vor.u32 $0x6, v37;
	[tilespmem:s7+$0x3000] =	vst v42  }
0x5f: {  	v52 =	vor.u32 $0x4, v37;
	v53 =	vor.u32 $0x5, v37;
	v42 =	vor.u32 $0x3, v37;
	[tilespmem:s7+$0x2E00] =	vst v41  }
0x60: {  	v54 =	vor.u32 $0x2, v37;
	v41 =	vor.u32 $0x1, v37;
	[tilespmem:s7+$0x2C00] =	vst v45;
	v45 =	vor.u32 $0x18, v37  }
0x61: {  	v55 =	vor.u32 $0x1A, v37;
	v56 =	vor.u32 $0x1B, v37;
	[tilespmem:s7+$0x2A00] =	vst v44;
	v44 =	vor.u32 $0x19, v37  }
0x62: {  	v57 =	vor.u32 $0x1D, v37;
	v58 =	vor.u32 $0x1E, v37;
	[tilespmem:s7+$0x2800] =	vst v40;
	v40 =	vor.u32 $0x1C, v37  }
0x63: {  	v37 =	vor.u32 $0x1F, v37;
	[tilespmem:s7+$0x2600] =	vst v47  }
0x64: {  	[tilespmem:s7+$0x2400] =	vst v46  }
0x65: {  	[tilespmem:s7+$0x2200] =	vst v39  }
0x66: {  	[tilespmem:s7+$0x2000] =	vst v49  }
0x67: {  	[tilespmem:s7+$0x1E00] =	vst v48  }
0x68: {  	[tilespmem:s7+$0x1C00] =	vst v38  }
0x69: {  	[tilespmem:s7+$0x1A00] =	vst v51  }
0x6a: {  	[tilespmem:s7+$0x1800] =	vst v50  }
0x6b: {  	[tilespmem:s7+$0x1600] =	vst v43  }
0x6c: {  	[tilespmem:s7+$0x1400] =	vst v53  }
0x6d: {  	[tilespmem:s7+$0x1200] =	vst v52  }
0x6e: {  	[tilespmem:s7+$0x1000] =	vst v42  }
0x6f: {  	[tilespmem:s7+$0xE00] =	vst v54  }
0x70: {  	[tilespmem:s7+$0xC00] =	vst v41  }
0x71: {  	[tilespmem:s7+$0x3A00] =	vst v45  }
0x72: {  	[tilespmem:s7+$0x3C00] =	vst v44  }
0x73: {  	[tilespmem:s7+$0x3E00] =	vst v55  }
0x74: {  	[tilespmem:s7+$0x4000] =	vst v56  }
.Ltmp0:
0x75: {  	[tilespmem:s7+$0x4200] =	vst v40;
	(pc) =	sbr.rel @p0 .LBB2_2-.Ltmp0, $4  }
0x76: {  	[tilespmem:s7+$0x4400] =	vst v57  }
0x77: {  	[tilespmem:s7+$0x4600] =	vst v58  }
0x78: {  	s2 =	sadd.s32 $0x10, s2;
	[tilespmem:s7+$0x4800] =	vst v37  }
0x79: {  	s6 =	sadd.s32 $0x10, s6;
	v37 =	vld [tilespmem:s2+$0x0]  }
0x7a: {  	_ =	sdelay $0x3  }
0x7b: {  	s2 =	sadd.s32 $0x10, s5;
	v37 =	vshll.u32 v37, $0x5  }
0x7c: {  	s19 =	sand.u32 $0x1F0, s3;
	[tilespmem:s2+$0x0] =	vst v37;
	v38 =	vor.u32 $0x17, v37  }
0x7d: {  	v39 =	vor.u32 $0x16, v37;
	[tilespmem:s19+$0x3800] =	vst v38  }
0x7e: {  	v57 =	vor.u32 $0x15, v37;
	[tilespmem:s19+$0x3600] =	vst v39  }
0x7f: {  	v58 =	vor.u32 $0x14, v37;
	[tilespmem:s19+$0x3400] =	vst v57  }
0x80: {  	v59 =	vor.u32 $0x13, v37;
	[tilespmem:s19+$0x3200] =	vst v58  }
0x81: {  	v60 =	vor.u32 $0x12, v37;
	[tilespmem:s19+$0x3000] =	vst v59  }
0x82: {  	v61 =	vor.u32 $0x11, v37;
	[tilespmem:s19+$0x2E00] =	vst v60  }
0x83: {  	v62 =	vor.u32 $0x10, v37;
	[tilespmem:s19+$0x2C00] =	vst v61  }
0x84: {  	v63 =	vor.u32 $0xF, v37;
	[tilespmem:s19+$0x2A00] =	vst v62  }
0x85: {  	v42 =	vor.u32 $0xE, v37;
	[tilespmem:s19+$0x2800] =	vst v63  }
0x86: {  	v43 =	vor.u32 $0xD, v37;
	[tilespmem:s19+$0x2600] =	vst v42  }
0x87: {  	v44 =	vor.u32 $0xC, v37;
	[tilespmem:s19+$0x2400] =	vst v43  }
0x88: {  	v45 =	vor.u32 $0xB, v37;
	[tilespmem:s19+$0x2200] =	vst v44  }
0x89: {  	v46 =	vor.u32 $0xA, v37;
	[tilespmem:s19+$0x2000] =	vst v45  }
0x8a: {  	v47 =	vor.u32 $0x9, v37;
	[tilespmem:s19+$0x1E00] =	vst v46  }
0x8b: {  	v48 =	vor.u32 $0x8, v37;
	[tilespmem:s19+$0x1C00] =	vst v47  }
0x8c: {  	v49 =	vor.u32 $0x7, v37;
	[tilespmem:s19+$0x1A00] =	vst v48  }
0x8d: {  	v50 =	vor.u32 $0x6, v37;
	[tilespmem:s19+$0x1800] =	vst v49  }
0x8e: {  	v51 =	vor.u32 $0x5, v37;
	[tilespmem:s19+$0x1600] =	vst v50  }
0x8f: {  	v52 =	vor.u32 $0x4, v37;
	[tilespmem:s19+$0x1400] =	vst v51  }
0x90: {  	v53 =	vor.u32 $0x3, v37;
	[tilespmem:s19+$0x1200] =	vst v52  }
0x91: {  	v54 =	vor.u32 $0x2, v37;
	[tilespmem:s19+$0x1000] =	vst v53  }
0x92: {  	v55 =	vor.u32 $0x1, v37;
	[tilespmem:s19+$0xE00] =	vst v54  }
0x93: {  	v56 =	vor.u32 $0x18, v37;
	[tilespmem:s19+$0xC00] =	vst v55  }
0x94: {  	v57 =	vor.u32 $0x19, v37;
	[tilespmem:s19+$0x3A00] =	vst v56  }
0x95: {  	v58 =	vor.u32 $0x1A, v37;
	[tilespmem:s19+$0x3C00] =	vst v57  }
0x96: {  	v59 =	vor.u32 $0x1B, v37;
	[tilespmem:s19+$0x3E00] =	vst v58  }
0x97: {  	v60 =	vor.u32 $0x1C, v37;
	[tilespmem:s19+$0x4000] =	vst v59  }
0x98: {  	v61 =	vor.u32 $0x1D, v37;
	[tilespmem:s19+$0x4200] =	vst v60  }
0x99: {  	v62 =	vor.u32 $0x1E, v37;
	[tilespmem:s19+$0x4400] =	vst v61  }
0x9a: {  	v37 =	vor.u32 $0x1F, v37;
	[tilespmem:s19+$0x4600] =	vst v62  }
0x9b: {  	s20 =	simm.s32 $0x4A00;
	s21 =	rddreg [dreg:$0x7];
	s22 =	simm.s32 $0x4000;
	[tilespmem:s19+$0x4800] =	vst v37  }
0x9c: {  	[tilespmem:s20], [sflag:$0x1] =	stream.indirect.gather [hbm4b:s21+s22], $0x1, s23, s22, $0xb8;
	[tilespmem:$0x1CE80] =	vst v63  }
0x9d: {  	_ =	swait.ge [sflag:s17], $0x4000  }
0x9e: {  	[sflag:s17] =	ssyncset.done $0x0  }
0x9f: {  	[sflag:s17] =	ssyncadd.s32 $0xFFFFC000  }
0xa0: {  	v63 =	vld [tilespmem:s20+$0x0];
	_ =	sdelay $0x3  }
0xa1: {  	s31 =	simm.s32 $0x0;
	s2 =	simm.s32 $0xE280  }
0xa2: {  	s29 =	sand.u32 $0x1F0, s31;
	[tilespmem:v0+s2+$0x0] =	vst.idx.msk $0xffff, v63  }
0xa3: {  	v37 =	vld [tilespmem:s29+$0x4C00];
	_ =	sdelay $0x4  }
0xa4: {  	[tilespmem:v1+s2+$0x0] =	vst.idx.msk $0xffff, v37  }
0xa5: {  	v37 =	vld [tilespmem:s29+$0x4E00];
	_ =	sdelay $0x4  }
0xa6: {  	[tilespmem:v2+s2+$0x0] =	vst.idx.msk $0xffff, v37  }
0xa7: {  	v37 =	vld [tilespmem:s29+$0x5000];
	_ =	sdelay $0x4  }
0xa8: {  	[tilespmem:v3+s2+$0x0] =	vst.idx.msk $0xffff, v37  }
0xa9: {  	v37 =	vld [tilespmem:s29+$0x5200];
	_ =	sdelay $0x4  }
0xaa: {  	[tilespmem:v4+s2+$0x0] =	vst.idx.msk $0xffff, v37  }
0xab: {  	v37 =	vld [tilespmem:s29+$0x5400];
	_ =	sdelay $0x4  }
0xac: {  	[tilespmem:v5+s2+$0x0] =	vst.idx.msk $0xffff, v37  }
0xad: {  	v37 =	vld [tilespmem:s29+$0x5600];
	_ =	sdelay $0x4  }
0xae: {  	[tilespmem:v6+s2+$0x0] =	vst.idx.msk $0xffff, v37  }
0xaf: {  	v37 =	vld [tilespmem:s29+$0x5800];
	_ =	sdelay $0x4  }
0xb0: {  	[tilespmem:v7+s2+$0x0] =	vst.idx.msk $0xffff, v37  }
0xb1: {  	v37 =	vld [tilespmem:s29+$0x5A00];
	_ =	sdelay $0x4  }
0xb2: {  	[tilespmem:v8+s2+$0x0] =	vst.idx.msk $0xffff, v37  }
0xb3: {  	v37 =	vld [tilespmem:s29+$0x5C00];
	_ =	sdelay $0x4  }
0xb4: {  	[tilespmem:v9+s2+$0x0] =	vst.idx.msk $0xffff, v37  }
0xb5: {  	v37 =	vld [tilespmem:s29+$0x5E00];
	_ =	sdelay $0x4  }
0xb6: {  	[tilespmem:v10+s2+$0x0] =	vst.idx.msk $0xffff, v37  }
0xb7: {  	v37 =	vld [tilespmem:s29+$0x6000];
	_ =	sdelay $0x4  }
0xb8: {  	[tilespmem:v11+s2+$0x0] =	vst.idx.msk $0xffff, v37  }
0xb9: {  	v37 =	vld [tilespmem:s29+$0x6200];
	_ =	sdelay $0x4  }
0xba: {  	[tilespmem:v12+s2+$0x0] =	vst.idx.msk $0xffff, v37  }
0xbb: {  	v37 =	vld [tilespmem:s29+$0x6400];
	_ =	sdelay $0x4  }
0xbc: {  	[tilespmem:v13+s2+$0x0] =	vst.idx.msk $0xffff, v37  }
0xbd: {  	v37 =	vld [tilespmem:s29+$0x6600];
	_ =	sdelay $0x4  }
0xbe: {  	[tilespmem:v14+s2+$0x0] =	vst.idx.msk $0xffff, v37  }
0xbf: {  	v37 =	vld [tilespmem:s29+$0x6800];
	_ =	sdelay $0x4  }
0xc0: {  	[tilespmem:v15+s2+$0x0] =	vst.idx.msk $0xffff, v37  }
0xc1: {  	v37 =	vld [tilespmem:s29+$0x6A00];
	_ =	sdelay $0x4  }
0xc2: {  	[tilespmem:v16+s2+$0x0] =	vst.idx.msk $0xffff, v37  }
0xc3: {  	v37 =	vld [tilespmem:s29+$0x6C00];
	_ =	sdelay $0x4  }
0xc4: {  	[tilespmem:v17+s2+$0x0] =	vst.idx.msk $0xffff, v37  }
0xc5: {  	v37 =	vld [tilespmem:s29+$0x6E00];
	_ =	sdelay $0x4  }
0xc6: {  	[tilespmem:v18+s2+$0x0] =	vst.idx.msk $0xffff, v37  }
0xc7: {  	v37 =	vld [tilespmem:s29+$0x7000];
	_ =	sdelay $0x4  }
0xc8: {  	[tilespmem:v19+s2+$0x0] =	vst.idx.msk $0xffff, v37  }
0xc9: {  	v37 =	vld [tilespmem:s29+$0x7200];
	_ =	sdelay $0x4  }
0xca: {  	[tilespmem:v20+s2+$0x0] =	vst.idx.msk $0xffff, v37  }
0xcb: {  	v37 =	vld [tilespmem:s29+$0x7400];
	_ =	sdelay $0x4  }
0xcc: {  	[tilespmem:v21+s2+$0x0] =	vst.idx.msk $0xffff, v37  }
0xcd: {  	v37 =	vld [tilespmem:s29+$0x7600];
	_ =	sdelay $0x4  }
0xce: {  	[tilespmem:v22+s2+$0x0] =	vst.idx.msk $0xffff, v37  }
0xcf: {  	v37 =	vld [tilespmem:s29+$0x7800];
	_ =	sdelay $0x4  }
0xd0: {  	[tilespmem:v23+s2+$0x0] =	vst.idx.msk $0xffff, v37  }
0xd1: {  	v37 =	vld [tilespmem:s29+$0x7A00];
	_ =	sdelay $0x4  }
0xd2: {  	[tilespmem:v24+s2+$0x0] =	vst.idx.msk $0xffff, v37  }
0xd3: {  	v37 =	vld [tilespmem:s29+$0x7C00];
	_ =	sdelay $0x4  }
0xd4: {  	[tilespmem:v25+s2+$0x0] =	vst.idx.msk $0xffff, v37  }
0xd5: {  	v37 =	vld [tilespmem:s29+$0x7E00];
	_ =	sdelay $0x4  }
0xd6: {  	[tilespmem:v26+s2+$0x0] =	vst.idx.msk $0xffff, v37  }
0xd7: {  	v37 =	vld [tilespmem:s29+$0x8000];
	_ =	sdelay $0x4  }
0xd8: {  	[tilespmem:v27+s2+$0x0] =	vst.idx.msk $0xffff, v37  }
0xd9: {  	v37 =	vld [tilespmem:s29+$0x8200];
	_ =	sdelay $0x4  }
0xda: {  	[tilespmem:v28+s2+$0x0] =	vst.idx.msk $0xffff, v37  }
0xdb: {  	v37 =	vld [tilespmem:s29+$0x8400];
	_ =	sdelay $0x4  }
0xdc: {  	[tilespmem:v29+s2+$0x0] =	vst.idx.msk $0xffff, v37  }
0xdd: {  	v37 =	vld [tilespmem:s29+$0x8600];
	_ =	sdelay $0x4  }
0xde: {  	[tilespmem:v30+s2+$0x0] =	vst.idx.msk $0xffff, v37  }
0xdf: {  	v37 =	vld [tilespmem:s29+$0x8800];
	_ =	sdelay $0x4  }
0xe0: {  	s5 =	simm.s32 $0x4A10;
	[tilespmem:v31+s2+$0x0] =	vst.idx.msk $0xffff, v37  }
0xe1: {  	s3 =	simm.s32 $0x10;
	s18 =	simm.s32 $0x20;
	v37 =	vld [tilespmem:s5+$0x0]  }
.LBB2_4:
0xe2: {  	p0 =	sne.s32 s18, $0x1F0;
	_ =	sdelay $0x2  }
0xe3: {  	s2 =	sadd.s32 $0x760, s2  }
0xe4: {  	s19 =	sand.u32 $0x1F0, s3;
	s3 =	smov.u32 s18;
	[tilespmem:v0+s2+$0x0] =	vst.idx.msk $0xffff, v37  }
0xe5: {  	v37 =	vld [tilespmem:s19+$0x4C00];
	_ =	sdelay $0x4  }
0xe6: {  	[tilespmem:v1+s2+$0x0] =	vst.idx.msk $0xffff, v37  }
0xe7: {  	v37 =	vld [tilespmem:s19+$0x4E00];
	_ =	sdelay $0x4  }
0xe8: {  	[tilespmem:v2+s2+$0x0] =	vst.idx.msk $0xffff, v37  }
0xe9: {  	v37 =	vld [tilespmem:s19+$0x5000];
	_ =	sdelay $0x4  }
0xea: {  	[tilespmem:v3+s2+$0x0] =	vst.idx.msk $0xffff, v37  }
0xeb: {  	v37 =	vld [tilespmem:s19+$0x5200];
	_ =	sdelay $0x4  }
0xec: {  	[tilespmem:v4+s2+$0x0] =	vst.idx.msk $0xffff, v37  }
0xed: {  	v37 =	vld [tilespmem:s19+$0x5400];
	_ =	sdelay $0x4  }
0xee: {  	[tilespmem:v5+s2+$0x0] =	vst.idx.msk $0xffff, v37  }
0xef: {  	v37 =	vld [tilespmem:s19+$0x5600];
	_ =	sdelay $0x4  }
0xf0: {  	[tilespmem:v6+s2+$0x0] =	vst.idx.msk $0xffff, v37  }
0xf1: {  	v37 =	vld [tilespmem:s19+$0x5800];
	_ =	sdelay $0x4  }
0xf2: {  	[tilespmem:v7+s2+$0x0] =	vst.idx.msk $0xffff, v37  }
0xf3: {  	v37 =	vld [tilespmem:s19+$0x5A00];
	_ =	sdelay $0x4  }
0xf4: {  	[tilespmem:v8+s2+$0x0] =	vst.idx.msk $0xffff, v37  }
0xf5: {  	v37 =	vld [tilespmem:s19+$0x5C00];
	_ =	sdelay $0x4  }
0xf6: {  	[tilespmem:v9+s2+$0x0] =	vst.idx.msk $0xffff, v37  }
0xf7: {  	v37 =	vld [tilespmem:s19+$0x5E00];
	_ =	sdelay $0x4  }
0xf8: {  	[tilespmem:v10+s2+$0x0] =	vst.idx.msk $0xffff, v37  }
0xf9: {  	v37 =	vld [tilespmem:s19+$0x6000];
	_ =	sdelay $0x4  }
0xfa: {  	[tilespmem:v11+s2+$0x0] =	vst.idx.msk $0xffff, v37  }
0xfb: {  	v37 =	vld [tilespmem:s19+$0x6200];
	_ =	sdelay $0x4  }
0xfc: {  	[tilespmem:v12+s2+$0x0] =	vst.idx.msk $0xffff, v37  }
0xfd: {  	v37 =	vld [tilespmem:s19+$0x6400];
	_ =	sdelay $0x4  }
0xfe: {  	[tilespmem:v13+s2+$0x0] =	vst.idx.msk $0xffff, v37  }
0xff: {  	v37 =	vld [tilespmem:s19+$0x6600];
	_ =	sdelay $0x4  }
0x100: {  	[tilespmem:v14+s2+$0x0] =	vst.idx.msk $0xffff, v37  }
0x101: {  	v37 =	vld [tilespmem:s19+$0x6800];
	_ =	sdelay $0x4  }
0x102: {  	[tilespmem:v15+s2+$0x0] =	vst.idx.msk $0xffff, v37  }
0x103: {  	v37 =	vld [tilespmem:s19+$0x6A00];
	_ =	sdelay $0x4  }
0x104: {  	[tilespmem:v16+s2+$0x0] =	vst.idx.msk $0xffff, v37  }
0x105: {  	v37 =	vld [tilespmem:s19+$0x6C00];
	_ =	sdelay $0x4  }
0x106: {  	[tilespmem:v17+s2+$0x0] =	vst.idx.msk $0xffff, v37  }
0x107: {  	v37 =	vld [tilespmem:s19+$0x6E00];
	_ =	sdelay $0x4  }
0x108: {  	[tilespmem:v18+s2+$0x0] =	vst.idx.msk $0xffff, v37  }
0x109: {  	v37 =	vld [tilespmem:s19+$0x7000];
	_ =	sdelay $0x4  }
0x10a: {  	[tilespmem:v19+s2+$0x0] =	vst.idx.msk $0xffff, v37  }
0x10b: {  	v37 =	vld [tilespmem:s19+$0x7200];
	_ =	sdelay $0x4  }
0x10c: {  	[tilespmem:v20+s2+$0x0] =	vst.idx.msk $0xffff, v37  }
0x10d: {  	v37 =	vld [tilespmem:s19+$0x7400];
	_ =	sdelay $0x4  }
0x10e: {  	[tilespmem:v21+s2+$0x0] =	vst.idx.msk $0xffff, v37  }
0x10f: {  	v37 =	vld [tilespmem:s19+$0x7600];
	_ =	sdelay $0x4  }
0x110: {  	[tilespmem:v22+s2+$0x0] =	vst.idx.msk $0xffff, v37  }
0x111: {  	v37 =	vld [tilespmem:s19+$0x7800];
	_ =	sdelay $0x4  }
0x112: {  	[tilespmem:v23+s2+$0x0] =	vst.idx.msk $0xffff, v37  }
0x113: {  	v37 =	vld [tilespmem:s19+$0x7A00];
	_ =	sdelay $0x4  }
0x114: {  	[tilespmem:v24+s2+$0x0] =	vst.idx.msk $0xffff, v37  }
0x115: {  	v37 =	vld [tilespmem:s19+$0x7C00];
	_ =	sdelay $0x4  }
0x116: {  	[tilespmem:v25+s2+$0x0] =	vst.idx.msk $0xffff, v37  }
0x117: {  	v37 =	vld [tilespmem:s19+$0x7E00];
	_ =	sdelay $0x4  }
0x118: {  	[tilespmem:v26+s2+$0x0] =	vst.idx.msk $0xffff, v37  }
0x119: {  	v37 =	vld [tilespmem:s19+$0x8000];
	_ =	sdelay $0x4  }
0x11a: {  	[tilespmem:v27+s2+$0x0] =	vst.idx.msk $0xffff, v37  }
0x11b: {  	v37 =	vld [tilespmem:s19+$0x8200];
	_ =	sdelay $0x4  }
0x11c: {  	[tilespmem:v28+s2+$0x0] =	vst.idx.msk $0xffff, v37  }
0x11d: {  	v37 =	vld [tilespmem:s19+$0x8400];
	_ =	sdelay $0x4  }
0x11e: {  	[tilespmem:v29+s2+$0x0] =	vst.idx.msk $0xffff, v37  }
0x11f: {  	v37 =	vld [tilespmem:s19+$0x8600];
	_ =	sdelay $0x4  }
0x120: {  	[tilespmem:v30+s2+$0x0] =	vst.idx.msk $0xffff, v37  }
0x121: {  	v37 =	vld [tilespmem:s19+$0x8800];
	_ =	sdelay $0x1  }
.Ltmp1:
0x122: {  	(pc) =	sbr.rel @p0 .LBB2_4-.Ltmp1, $3  }
0x123: {  	_ =	sdelay $0x1  }
0x124: {  	s5 =	sadd.s32 $0x10, s5;
	[tilespmem:v31+s2+$0x0] =	vst.idx.msk $0xffff, v37  }
0x125: {  	s18 =	sadd.s32 $0x10, s18;
	v37 =	vld [tilespmem:s5+$0x0]  }
0x126: {  	_ =	sdelay $0x2  }
0x127: {  	s2 =	sadd.s32 $0x760, s2  }
0x128: {  	s3 =	sand.u32 $0x1F0, s3;
	[tilespmem:v0+s2+$0x0] =	vst.idx.msk $0xffff, v37  }
0x129: {  	v37 =	vld [tilespmem:s3+$0x4C00];
	_ =	sdelay $0x4  }
0x12a: {  	[tilespmem:v1+s2+$0x0] =	vst.idx.msk $0xffff, v37  }
0x12b: {  	v37 =	vld [tilespmem:s3+$0x4E00];
	_ =	sdelay $0x4  }
0x12c: {  	[tilespmem:v2+s2+$0x0] =	vst.idx.msk $0xffff, v37  }
0x12d: {  	v37 =	vld [tilespmem:s3+$0x5000];
	_ =	sdelay $0x4  }
0x12e: {  	[tilespmem:v3+s2+$0x0] =	vst.idx.msk $0xffff, v37  }
0x12f: {  	v37 =	vld [tilespmem:s3+$0x5200];
	_ =	sdelay $0x4  }
0x130: {  	[tilespmem:v4+s2+$0x0] =	vst.idx.msk $0xffff, v37  }
0x131: {  	v37 =	vld [tilespmem:s3+$0x5400];
	_ =	sdelay $0x4  }
0x132: {  	[tilespmem:v5+s2+$0x0] =	vst.idx.msk $0xffff, v37  }
0x133: {  	v37 =	vld [tilespmem:s3+$0x5600];
	_ =	sdelay $0x4  }
0x134: {  	[tilespmem:v6+s2+$0x0] =	vst.idx.msk $0xffff, v37  }
0x135: {  	v37 =	vld [tilespmem:s3+$0x5800];
	_ =	sdelay $0x4  }
0x136: {  	[tilespmem:v7+s2+$0x0] =	vst.idx.msk $0xffff, v37  }
0x137: {  	v37 =	vld [tilespmem:s3+$0x5A00];
	_ =	sdelay $0x4  }
0x138: {  	[tilespmem:v8+s2+$0x0] =	vst.idx.msk $0xffff, v37  }
0x139: {  	v37 =	vld [tilespmem:s3+$0x5C00];
	_ =	sdelay $0x4  }
0x13a: {  	[tilespmem:v9+s2+$0x0] =	vst.idx.msk $0xffff, v37  }
0x13b: {  	v37 =	vld [tilespmem:s3+$0x5E00];
	_ =	sdelay $0x4  }
0x13c: {  	[tilespmem:v10+s2+$0x0] =	vst.idx.msk $0xffff, v37  }
0x13d: {  	v37 =	vld [tilespmem:s3+$0x6000];
	_ =	sdelay $0x4  }
0x13e: {  	[tilespmem:v11+s2+$0x0] =	vst.idx.msk $0xffff, v37  }
0x13f: {  	v37 =	vld [tilespmem:s3+$0x6200];
	_ =	sdelay $0x4  }
0x140: {  	[tilespmem:v12+s2+$0x0] =	vst.idx.msk $0xffff, v37  }
0x141: {  	v37 =	vld [tilespmem:s3+$0x6400];
	_ =	sdelay $0x4  }
0x142: {  	[tilespmem:v13+s2+$0x0] =	vst.idx.msk $0xffff, v37  }
0x143: {  	v37 =	vld [tilespmem:s3+$0x6600];
	_ =	sdelay $0x4  }
0x144: {  	[tilespmem:v14+s2+$0x0] =	vst.idx.msk $0xffff, v37  }
0x145: {  	v37 =	vld [tilespmem:s3+$0x6800];
	_ =	sdelay $0x4  }
0x146: {  	[tilespmem:v15+s2+$0x0] =	vst.idx.msk $0xffff, v37  }
0x147: {  	v37 =	vld [tilespmem:s3+$0x6A00];
	_ =	sdelay $0x4  }
0x148: {  	[tilespmem:v16+s2+$0x0] =	vst.idx.msk $0xffff, v37  }
0x149: {  	v37 =	vld [tilespmem:s3+$0x6C00];
	_ =	sdelay $0x4  }
0x14a: {  	[tilespmem:v17+s2+$0x0] =	vst.idx.msk $0xffff, v37  }
0x14b: {  	v37 =	vld [tilespmem:s3+$0x6E00];
	_ =	sdelay $0x4  }
0x14c: {  	[tilespmem:v18+s2+$0x0] =	vst.idx.msk $0xffff, v37  }
0x14d: {  	v37 =	vld [tilespmem:s3+$0x7000];
	_ =	sdelay $0x4  }
0x14e: {  	[tilespmem:v19+s2+$0x0] =	vst.idx.msk $0xffff, v37  }
0x14f: {  	v37 =	vld [tilespmem:s3+$0x7200];
	_ =	sdelay $0x4  }
0x150: {  	[tilespmem:v20+s2+$0x0] =	vst.idx.msk $0xffff, v37  }
0x151: {  	v37 =	vld [tilespmem:s3+$0x7400];
	_ =	sdelay $0x4  }
0x152: {  	[tilespmem:v21+s2+$0x0] =	vst.idx.msk $0xffff, v37  }
0x153: {  	v37 =	vld [tilespmem:s3+$0x7600];
	_ =	sdelay $0x4  }
0x154: {  	[tilespmem:v22+s2+$0x0] =	vst.idx.msk $0xffff, v37  }
0x155: {  	v37 =	vld [tilespmem:s3+$0x7800];
	_ =	sdelay $0x4  }
0x156: {  	[tilespmem:v23+s2+$0x0] =	vst.idx.msk $0xffff, v37  }
0x157: {  	v37 =	vld [tilespmem:s3+$0x7A00];
	_ =	sdelay $0x4  }
0x158: {  	[tilespmem:v24+s2+$0x0] =	vst.idx.msk $0xffff, v37  }
0x159: {  	v37 =	vld [tilespmem:s3+$0x7C00];
	_ =	sdelay $0x4  }
0x15a: {  	[tilespmem:v25+s2+$0x0] =	vst.idx.msk $0xffff, v37  }
0x15b: {  	v37 =	vld [tilespmem:s3+$0x7E00];
	_ =	sdelay $0x4  }
0x15c: {  	[tilespmem:v26+s2+$0x0] =	vst.idx.msk $0xffff, v37  }
0x15d: {  	v37 =	vld [tilespmem:s3+$0x8000];
	_ =	sdelay $0x4  }
0x15e: {  	[tilespmem:v27+s2+$0x0] =	vst.idx.msk $0xffff, v37  }
0x15f: {  	v37 =	vld [tilespmem:s3+$0x8200];
	_ =	sdelay $0x4  }
0x160: {  	[tilespmem:v28+s2+$0x0] =	vst.idx.msk $0xffff, v37  }
0x161: {  	v37 =	vld [tilespmem:s3+$0x8400];
	_ =	sdelay $0x4  }
0x162: {  	[tilespmem:v29+s2+$0x0] =	vst.idx.msk $0xffff, v37  }
0x163: {  	v37 =	vld [tilespmem:s3+$0x8600];
	_ =	sdelay $0x4  }
0x164: {  	[tilespmem:v30+s2+$0x0] =	vst.idx.msk $0xffff, v37  }
0x165: {  	v37 =	vld [tilespmem:s3+$0x8800];
	_ =	sdelay $0x4  }
0x166: {  	[tilespmem:v31+s2+$0x0] =	vst.idx.msk $0xffff, v37  }
.LBB2_6:
0x167: {  	s2 =	sshll.u32 s31, $0x4  }
0x168: {  	s3 =	simm.s32 $0x200;
	v40 =	vld [tilespmem:s2+$0x8A00]  }
0x169: {  	s18 =	simm.s32 $0x0;
	v38 =	vld [tilespmem:s3+$0x0]  }
0x16a: {  	s5 =	simm.s32 $0x400;
	v39 =	vld [tilespmem:s18+$0x0]  }
0x16b: {  	v41 =	vld [tilespmem:s5+$0x0];
	_ =	sdelay $0x2  }
0x16c: {  	v37 =	vld [tilespmem:s2+$0x8D00]  }
0x16d: {  	v42 =	vmul.f32 v38, v40;
	v39 =	vmul.f32 v39, v40  }
0x16e: {  	v41 =	vmul.f32 v41, v40  }
0x16f: {  	v43 =	vtrunc.f32 v42;
	v44 =	vsub.f32 v42, v33;
	v46 =	vsub.f32 v39, v33  }
0x170: {  	v45 =	vtrunc.f32 v39;
	v47 =	vsub.f32 v41, v33;
	v59 =	vtrunc.f32 v41  }
0x171: {  	v38 =	vadd.s32 $0x80, v37;
	v44 =	vtrunc.f32 v44;
	v46 =	vtrunc.f32 v46  }
0x172: {  	vm0 =	vlt.f32 v42, $2.147483650e+09;
	v47 =	vtrunc.f32 v47;
	v44 =	vcvt.f32.s32 v44  }
0x173: {  	vm1 =	vlt.f32 v39, $2.147483650e+09;
	v46 =	vcvt.f32.s32 v46;
	v47 =	vcvt.f32.s32 v47  }
0x174: {  	vm2 =	vlt.f32 v41, $2.147483650e+09;
	v43 =	vcvt.f32.s32 v43;
	v45 =	vcvt.f32.s32 v45  }
0x175: {  	v44 =	vxor.u32 $0x80000000, v44;
	v46 =	vxor.u32 $0x80000000, v46;
	v60 =	vxor.u32 $0x80000000, v47  }
0x176: {  	v43 =	vsel vm0, v43, v44;
	v45 =	vsel vm1, v45, v46;
	v44 =	vcvt.f32.s32 v59  }
0x177: {  	v61 =	vshrl.u32 v43, $0x10;
	v48 =	vshrl.u32 v45, $0x10;
	v49 =	vand.u32 $0xFFFF, v43  }
0x178: {  	v53 =	vmul.u32 $0x9E3779B1, v43;
	v62 =	vand.u32 $0xFFFF, v45;
	v47 =	vcvt.s32.f32 v61  }
0x179: {  	v48 =	vcvt.s32.f32 v48;
	v49 =	vcvt.s32.f32 v49;
	v44 =	vsel vm2, v44, v60  }
0x17a: {  	v55 =	vcvt.s32.f32 v62;
	v46 =	vadd.s32 $0x9E3779B1, v53;
	v51 =	vand.u32 $0xFFFF, v44  }
0x17b: {  	v54 =	vshrl.u32 v44, $0x10;
	v52 =	vmul.u32 $0x30025795, v44;
	v50 =	vmul.f32 $6.553600000e+04, v47  }
0x17c: {  	v47 =	vxor.u32 v45, v53;
	v48 =	vmul.f32 $6.553600000e+04, v48;
	v63 =	vcvt.s32.f32 v54  }
0x17d: {  	v43 =	vxor.u32 v45, v46;
	v58 =	vcvt.s32.f32 v51;
	v45 =	vadd.s32 $0x1, v45  }
0x17e: {  	v57 =	vxor.u32 v52, v47;
	v49 =	vadd.f32 v49, v50;
	v48 =	vadd.f32 v55, v48  }
0x17f: {  	v53 =	vxor.u32 v45, v53;
	v46 =	vxor.u32 v45, v46;
	v44 =	vmul.f32 $6.553600000e+04, v63  }
0x180: {  	v56 =	vxor.u32 v52, v43;
	v50 =	vsub.f32 v42, v49;
	v51 =	vsub.f32 v39, v48  }
0x181: {  	v59 =	vshll.u32 v57, $0x1;
	v61 =	vand.u32 $0x7F, v57;
	v44 =	vadd.f32 v58, v44  }
0x182: {  	v60 =	vand.u32 $0x7FFF00, v59;
	v62 =	vsub.f32 $1.000000000e+00, v51;
	v63 =	vsub.f32 $1.000000000e+00, v50  }
0x183: {  	s20 =	simm.s32 $0x9280;
	s19 =	simm.s32 $0xB280;
	v57 =	vxor.u32 v52, v53;
	v54 =	vor.u32 v61, v60;
	v41 =	vsub.f32 v41, v44  }
0x184: {  	s21 =	simm.s32 $0xE10;
	s29 =	simm.s32 $0xB290;
	s22 =	sand.u32 $0x3FFFFFF0, s2;
	v42 =	vadd.s32 $0x30025795, v52;
	v55 =	vadd.s32 v37, v54;
	v45 =	vmul.f32 v63, v62  }
0x185: {  	s2 =	simm.s32 $0xE00;
	s5 =	simm.s32 $0x9280;
	v39 =	vld [tilespmem:s22+$0x8FB0];
	s22 =	simm.s32 $0x410;
	v44 =	vmul.f32 v63, v51;
	v49 =	vsub.f32 $1.000000000e+00, v41;
	v48 =	vmul.f32 v50, v62  }
.LBB2_7:
0x186: {  	v50 =	vmul.f32 v50, v51;
	v51 =	vshll.u32 v57, $0x1;
	v52 =	vxor.u32 v52, v46;
	s20 =	sadd.s32 $0x20, s20;
	s18 =	sadd.s32 $0x10, s18;
	s3 =	sadd.s32 $0x10, s3  }
0x187: {  	p0 =	sne.s32 s21, $0xFF0;
	v53 =	vxor.u32 v53, v42;
	s6 =	smov.u32 s21;
	s21 =	sadd.s32 $0x10, s21;
	v51 =	vand.u32 $0x7FFF00, v51;
	v58 =	vshll.u32 v52, $0x1  }
0x188: {  	v54 =	vadd.s32 v38, v54;
	v57 =	vand.u32 $0x7F, v57;
	[tilespmem:v32+s5+$0x0] =	vst.idx.msk $0xffff, v55;
	v55 =	vmul.f32 v49, v45  }
0x189: {  	v52 =	vand.u32 $0x7F, v52;
	v51 =	vor.u32 v57, v51;
	[tilespmem:v34+s5+$0x0] =	vst.idx.msk $0xffff, v54;
	v54 =	vand.u32 $0x7FFF00, v58  }
0x18a: {  	s7 =	sadd.s32 $0xFFFFF200, s2;
	s9 =	sadd.s32 $0xFFFFF400, s2;
	v57 =	vshll.u32 v56, $0x1;
	v56 =	vand.u32 $0x7F, v56;
	[tilespmem:s19+$0x0] =	vst v55;
	v55 =	vadd.s32 v37, v51;
	s19 =	smov.u32 s29  }
0x18b: {  	s9 =	sand.u32 $0x380, s9;
	s7 =	sand.u32 $0x70, s7;
	v57 =	vand.u32 $0x7FFF00, v57;
	v51 =	vadd.s32 v38, v51;
	[tilespmem:v32+s5+$0x400] =	vst.idx.msk $0xffff, v55;
	v55 =	vmul.f32 v49, v44  }
0x18c: {  	s9 =	sor.u32 s7, s9;
	v52 =	vor.u32 v52, v54;
	v54 =	vshll.u32 v53, $0x1;
	[tilespmem:v34+s5+$0x400] =	vst.idx.msk $0xffff, v51;
	v51 =	vor.u32 v56, v57  }
0x18d: {  	v47 =	vxor.u32 v47, v42;
	v54 =	vand.u32 $0x7FFF00, v54;
	[tilespmem:s9+$0xB280] =	vst v55;
	v55 =	vadd.s32 v37, v51;
	s9 =	sadd.s32 $0xFFFFF600, s2  }
0x18e: {  	v53 =	vand.u32 $0x7F, v53;
	v51 =	vadd.s32 v38, v51;
	[tilespmem:v32+s5+$0x800] =	vst.idx.msk $0xffff, v55;
	v55 =	vmul.f32 v49, v48;
	s9 =	sand.u32 $0x580, s9  }
0x18f: {  	v53 =	vor.u32 v53, v54;
	v48 =	vmul.f32 v41, v48;
	[tilespmem:v34+s5+$0x800] =	vst.idx.msk $0xffff, v51;
	s9 =	sor.u32 s7, s9;
	v51 =	vshll.u32 v47, $0x1  }
0x190: {  	v46 =	vxor.u32 v42, v46;
	v54 =	vadd.s32 v37, v52;
	[tilespmem:s9+$0xB280] =	vst v55;
	s9 =	sadd.s32 $0xFFFFF800, s2;
	v51 =	vand.u32 $0x7FFF00, v51  }
0x191: {  	v52 =	vadd.s32 v38, v52;
	v49 =	vmul.f32 v49, v50;
	v47 =	vand.u32 $0x7F, v47;
	[tilespmem:v32+s5+$0xC00] =	vst.idx.msk $0xffff, v54;
	s9 =	sand.u32 $0x780, s9  }
0x192: {  	v50 =	vmul.f32 v41, v50;
	v47 =	vor.u32 v47, v51;
	v51 =	vshll.u32 v46, $0x1;
	[tilespmem:v34+s5+$0xC00] =	vst.idx.msk $0xffff, v52;
	s9 =	sor.u32 s7, s9  }
0x193: {  	v42 =	vxor.u32 v42, v43;
	v43 =	vand.u32 $0x7FFF00, v51;
	[tilespmem:s9+$0xB280] =	vst v49;
	v49 =	vadd.s32 v37, v47;
	s9 =	sadd.s32 $0xFFFFFA00, s2  }
0x194: {  	v45 =	vmul.f32 v45, v41;
	v46 =	vand.u32 $0x7F, v46;
	v47 =	vadd.s32 v38, v47;
	[tilespmem:v32+s5+$0x1000] =	vst.idx.msk $0xffff, v49;
	s9 =	sand.u32 $0x980, s9  }
0x195: {  	v43 =	vor.u32 v46, v43;
	[tilespmem:v34+s5+$0x1000] =	vst.idx.msk $0xffff, v47;
	s9 =	sor.u32 s7, s9;
	v47 =	vshll.u32 v42, $0x1  }
0x196: {  	[tilespmem:s9+$0xB280] =	vst v45;
	v45 =	vadd.s32 v37, v53;
	s9 =	sadd.s32 $0xFFFFFC00, s2;
	v46 =	vand.u32 $0x7FFF00, v47  }
0x197: {  	v41 =	vmul.f32 v44, v41;
	v42 =	vand.u32 $0x7F, v42;
	[tilespmem:v32+s5+$0x1400] =	vst.idx.msk $0xffff, v45;
	v45 =	vadd.s32 v38, v53;
	s9 =	sand.u32 $0xB80, s9  }
0x198: {  	v42 =	vor.u32 v42, v46;
	[tilespmem:v34+s5+$0x1400] =	vst.idx.msk $0xffff, v45;
	s9 =	sor.u32 s7, s9  }
0x199: {  	[tilespmem:s9+$0xB280] =	vst v41;
	v41 =	vadd.s32 v37, v42;
	s9 =	sadd.s32 $0xFFFFFE00, s2  }
0x19a: {  	[tilespmem:v32+s5+$0x1800] =	vst.idx.msk $0xffff, v41;
	v41 =	vadd.s32 v38, v42;
	s9 =	sand.u32 $0xD80, s9  }
0x19b: {  	[tilespmem:v34+s5+$0x1800] =	vst.idx.msk $0xffff, v41;
	s9 =	sor.u32 s7, s9  }
0x19c: {  	v41 =	vadd.s32 v37, v43;
	[tilespmem:s9+$0xB280] =	vst v48  }
0x19d: {  	s9 =	sand.u32 $0xF80, s2;
	s2 =	smov.u32 s6;
	[tilespmem:v32+s5+$0x1C00] =	vst.idx.msk $0xffff, v41;
	v41 =	vadd.s32 v38, v43  }
0x19e: {  	s6 =	sor.u32 s7, s9;
	[tilespmem:v34+s5+$0x1C00] =	vst.idx.msk $0xffff, v41;
	s5 =	smov.u32 s20  }
0x19f: {  	[tilespmem:s6+$0xB280] =	vst v50  }
0x1a0: {  	v41 =	vld [tilespmem:s3+$0x0]  }
0x1a1: {  	v42 =	vld [tilespmem:s18+$0x0]  }
0x1a2: {  	v43 =	vld [tilespmem:s22+$0x0];
	_ =	sdelay $0x2  }
0x1a3: {  	v41 =	vmul.f32 v41, v40  }
0x1a4: {  	v44 =	vmul.f32 v42, v40  }
0x1a5: {  	v45 =	vmul.f32 v43, v40;
	v42 =	vtrunc.f32 v41;
	v43 =	vsub.f32 v41, v33  }
0x1a6: {  	vm0 =	vlt.f32 v41, $2.147483650e+09;
	v46 =	vtrunc.f32 v44;
	v47 =	vsub.f32 v44, v33  }
0x1a7: {  	v42 =	vcvt.f32.s32 v42;
	v43 =	vtrunc.f32 v43;
	v48 =	vsub.f32 v45, v33  }
0x1a8: {  	vm1 =	vlt.f32 v44, $2.147483650e+09;
	v47 =	vtrunc.f32 v47;
	v43 =	vcvt.f32.s32 v43  }
0x1a9: {  	vm2 =	vlt.f32 v45, $2.147483650e+09;
	v47 =	vcvt.f32.s32 v47;
	v48 =	vtrunc.f32 v48  }
0x1aa: {  	v46 =	vcvt.f32.s32 v46;
	v43 =	vxor.u32 $0x80000000, v43;
	v48 =	vcvt.f32.s32 v48  }
0x1ab: {  	v47 =	vxor.u32 $0x80000000, v47;
	v42 =	vsel vm0, v42, v43;
	v43 =	vtrunc.f32 v45  }
0x1ac: {  	v46 =	vsel vm1, v46, v47;
	v47 =	vxor.u32 $0x80000000, v48;
	v48 =	vshrl.u32 v42, $0x10  }
0x1ad: {  	v43 =	vcvt.f32.s32 v43;
	v49 =	vshrl.u32 v46, $0x10;
	v48 =	vcvt.s32.f32 v48  }
0x1ae: {  	v50 =	vand.u32 $0xFFFF, v42;
	v53 =	vmul.u32 $0x9E3779B1, v42;
	v49 =	vcvt.s32.f32 v49  }
0x1af: {  	v42 =	vand.u32 $0xFFFF, v46;
	v50 =	vcvt.s32.f32 v50;
	v48 =	vmul.f32 $6.553600000e+04, v48  }
0x1b0: {  	v43 =	vsel vm2, v43, v47;
	v56 =	vadd.s32 $0x9E3779B1, v53;
	v47 =	vxor.u32 v46, v53  }
0x1b1: {  	v51 =	vand.u32 $0xFFFF, v43;
	v54 =	vshrl.u32 v43, $0x10;
	v48 =	vadd.f32 v50, v48  }
0x1b2: {  	v42 =	vcvt.s32.f32 v42;
	v52 =	vmul.u32 $0x30025795, v43;
	v49 =	vmul.f32 $6.553600000e+04, v49  }
0x1b3: {  	v43 =	vxor.u32 v46, v56;
	v50 =	vsub.f32 v41, v48;
	v41 =	vcvt.s32.f32 v54  }
0x1b4: {  	v48 =	vadd.f32 v42, v49;
	v42 =	vadd.s32 $0x30025795, v52;
	v49 =	vxor.u32 v52, v47  }
0x1b5: {  	v54 =	vcvt.s32.f32 v51;
	v55 =	vshll.u32 v49, $0x1;
	v41 =	vmul.f32 $6.553600000e+04, v41  }
0x1b6: {  	v51 =	vsub.f32 v44, v48;
	v44 =	vand.u32 $0x7FFF00, v55;
	v48 =	vand.u32 $0x7F, v49  }
.Ltmp2:
0x1b7: {  	v46 =	vadd.s32 $0x1, v46;
	v41 =	vadd.f32 v54, v41;
	v54 =	vor.u32 v48, v44;
	(pc) =	sbr.rel @p0 .LBB2_7-.Ltmp2, $4  }
0x1b8: {  	v48 =	vsub.f32 $1.000000000e+00, v51;
	v44 =	vsub.f32 $1.000000000e+00, v50;
	v55 =	vadd.s32 v37, v54  }
0x1b9: {  	v53 =	vxor.u32 v46, v53;
	v46 =	vxor.u32 v46, v56;
	v41 =	vsub.f32 v45, v41  }
0x1ba: {  	v57 =	vxor.u32 v52, v53;
	v45 =	vmul.f32 v44, v48;
	v44 =	vmul.f32 v44, v51  }
0x1bb: {  	s29 =	sadd.s32 $0x10, s29;
	s22 =	sadd.s32 $0x10, s22;
	v56 =	vxor.u32 v52, v43;
	v48 =	vmul.f32 v50, v48;
	v49 =	vsub.f32 $1.000000000e+00, v41  }
0x1bc: {  	_ =	sdelay $0x2  }
0x1bd: {  	v40 =	vshll.u32 v57, $0x1;
	v54 =	vadd.s32 v38, v54  }
0x1be: {  	[tilespmem:v32+s5+$0x0] =	vst.idx.msk $0xffff, v55;
	v61 =	vand.u32 $0x7F, v57;
	v40 =	vand.u32 $0x7FFF00, v40;
	v60 =	vmul.f32 v49, v45  }
0x1bf: {  	v52 =	vxor.u32 v52, v46;
	v63 =	vshll.u32 v56, $0x1;
	[tilespmem:v34+s5+$0x0] =	vst.idx.msk $0xffff, v54;
	v40 =	vor.u32 v61, v40  }
0x1c0: {  	s3 =	sadd.s32 $0xFFFFF200, s2;
	s6 =	sadd.s32 $0xFFFFF400, s2;
	v47 =	vxor.u32 v47, v42;
	v55 =	vand.u32 $0x7FFF00, v63;
	[tilespmem:s19+$0x0] =	vst v60;
	v62 =	vadd.s32 v37, v40  }
0x1c1: {  	s6 =	sand.u32 $0x380, s6;
	s3 =	sand.u32 $0x70, s3;
	v61 =	vmul.f32 v49, v44;
	v60 =	vand.u32 $0x7F, v56;
	v40 =	vadd.s32 v38, v40;
	[tilespmem:v32+s5+$0x400] =	vst.idx.msk $0xffff, v62  }
0x1c2: {  	v50 =	vmul.f32 v50, v51;
	s6 =	sor.u32 s3, s6;
	v63 =	vor.u32 v60, v55;
	[tilespmem:v34+s5+$0x400] =	vst.idx.msk $0xffff, v40  }
0x1c3: {  	s9 =	sadd.s32 $0xFFFFF600, s2;
	v62 =	vshll.u32 v52, $0x1;
	v52 =	vand.u32 $0x7F, v52;
	v59 =	vadd.s32 v37, v63;
	[tilespmem:s6+$0xB280] =	vst v61  }
0x1c4: {  	v60 =	vmul.f32 v49, v48;
	v58 =	vand.u32 $0x7FFF00, v62;
	v40 =	vadd.s32 v38, v63;
	s6 =	sand.u32 $0x580, s9;
	[tilespmem:v32+s5+$0x800] =	vst.idx.msk $0xffff, v59  }
0x1c5: {  	v57 =	vmul.f32 v49, v50;
	v61 =	vor.u32 v52, v58;
	s6 =	sor.u32 s3, s6;
	[tilespmem:v34+s5+$0x800] =	vst.idx.msk $0xffff, v40  }
0x1c6: {  	s18 =	sadd.s32 $0xFFFFF800, s2;
	v62 =	vshll.u32 v47, $0x1;
	v63 =	vxor.u32 v53, v42;
	v56 =	vadd.s32 v37, v61;
	[tilespmem:s6+$0xB280] =	vst v60  }
0x1c7: {  	v47 =	vand.u32 $0x7F, v47;
	v51 =	vadd.s32 v38, v61;
	v40 =	vand.u32 $0x7FFF00, v62;
	s6 =	sand.u32 $0x780, s18;
	[tilespmem:v32+s5+$0xC00] =	vst.idx.msk $0xffff, v56  }
0x1c8: {  	v58 =	vshll.u32 v63, $0x1;
	v40 =	vor.u32 v47, v40;
	s6 =	sor.u32 s3, s6;
	[tilespmem:v34+s5+$0xC00] =	vst.idx.msk $0xffff, v51  }
0x1c9: {  	s19 =	sadd.s32 $0xFFFFFA00, s2;
	v59 =	vand.u32 $0x7FFF00, v58;
	v60 =	vadd.s32 v37, v40;
	[tilespmem:s6+$0xB280] =	vst v57  }
0x1ca: {  	v61 =	vand.u32 $0x7F, v63;
	v62 =	vmul.f32 v45, v41;
	v40 =	vadd.s32 v38, v40;
	s6 =	sand.u32 $0x980, s19;
	[tilespmem:v32+s5+$0x1000] =	vst.idx.msk $0xffff, v60  }
0x1cb: {  	v43 =	vxor.u32 v42, v43;
	v47 =	vor.u32 v61, v59;
	s6 =	sor.u32 s3, s6;
	[tilespmem:v34+s5+$0x1000] =	vst.idx.msk $0xffff, v40  }
0x1cc: {  	s20 =	sadd.s32 $0xFFFFFC00, s2;
	v52 =	vmul.f32 v44, v41;
	v63 =	vshll.u32 v43, $0x1;
	v49 =	vadd.s32 v37, v47;
	[tilespmem:s6+$0xB280] =	vst v62  }
0x1cd: {  	v43 =	vand.u32 $0x7F, v43;
	v51 =	vadd.s32 v38, v47;
	v40 =	vand.u32 $0x7FFF00, v63;
	s6 =	sand.u32 $0xB80, s20;
	[tilespmem:v32+s5+$0x1400] =	vst.idx.msk $0xffff, v49  }
0x1ce: {  	v53 =	vxor.u32 v42, v46;
	v40 =	vor.u32 v43, v40;
	s6 =	sor.u32 s3, s6;
	[tilespmem:v34+s5+$0x1400] =	vst.idx.msk $0xffff, v51  }
0x1cf: {  	s21 =	sadd.s32 $0xFFFFFE00, s2;
	v54 =	vmul.f32 v41, v48;
	v55 =	vshll.u32 v53, $0x1;
	v56 =	vadd.s32 v37, v40;
	[tilespmem:s6+$0xB280] =	vst v52  }
0x1d0: {  	v42 =	vand.u32 $0x7F, v53;
	v45 =	vand.u32 $0x7FFF00, v55;
	v40 =	vadd.s32 v38, v40;
	s6 =	sand.u32 $0xD80, s21;
	[tilespmem:v32+s5+$0x1800] =	vst.idx.msk $0xffff, v56  }
0x1d1: {  	v42 =	vor.u32 v42, v45;
	s6 =	sor.u32 s3, s6;
	[tilespmem:v34+s5+$0x1800] =	vst.idx.msk $0xffff, v40  }
0x1d2: {  	v57 =	vadd.s32 v37, v42;
	[tilespmem:s6+$0xB280] =	vst v54  }
0x1d3: {  	s22 =	sand.u32 $0xF80, s2;
	v58 =	vmul.f32 v41, v50;
	v59 =	vadd.s32 v38, v42;
	[tilespmem:v32+s5+$0x1C00] =	vst.idx.msk $0xffff, v57  }
0x1d4: {  	s2 =	sor.u32 s3, s22;
	[tilespmem:v34+s5+$0x1C00] =	vst.idx.msk $0xffff, v59  }
0x1d5: {  	[tilespmem:s2+$0xB280] =	vst v58  }
0x1d6: {  	[tilespmem:s26], [sflag:$0x1] =	stream.indirect.gather [hbm4b:s0+s24], $0x1, s25, s24, $0xb8;
	[tilespmem:$0x1CE80] =	vst v63  }
0x1d7: {  	_ =	swait.ge [sflag:s17], $0x2000  }
0x1d8: {  	[sflag:s17] =	ssyncset.done $0x0  }
0x1d9: {  	s29 =	simm.s32 $0x0;
	[sflag:s17] =	ssyncadd.s32 $0xFFFFE000  }
0x1da: {  	s2 =	simm.s32 $0xD280;
	v60 =	vld.idx.msk [tilespmem:v36+s29+$0xB280], $0xffff  }
0x1db: {  	v61 =	vld [tilespmem:s2+$0xFFFFF000]  }
0x1dc: {  	v62 =	vld.idx.msk [tilespmem:v36+s29+$0xB480], $0xffff  }
0x1dd: {  	v63 =	vld [tilespmem:s2+$0xFFFFF400]  }
0x1de: {  	v48 =	vld.idx.msk [tilespmem:v36+s29+$0xB680], $0xffff  }
0x1df: {  	v49 =	vld [tilespmem:s2+$0xFFFFF800]  }
0x1e0: {  	v50 =	vld.idx.msk [tilespmem:v36+s29+$0xB880], $0xffff;
	v37 =	vmul.f32 v60, v61  }
0x1e1: {  	v51 =	vld [tilespmem:s2+$0xFFFFFC00]  }
0x1e2: {  	v52 =	vld.idx.msk [tilespmem:v36+s29+$0xBA80], $0xffff;
	v40 =	vmul.f32 v62, v63;
	v37 =	vadd.f32 $0.0e+00, v37  }
0x1e3: {  	v53 =	vld [tilespmem:s2+$0x0]  }
0x1e4: {  	v55 =	vld.idx.msk [tilespmem:v36+s29+$0xBC80], $0xffff;
	v54 =	vmul.f32 v48, v49;
	v37 =	vadd.f32 v40, v37  }
0x1e5: {  	v56 =	vld [tilespmem:s2+$0x400]  }
0x1e6: {  	v57 =	vld.idx.msk [tilespmem:v36+s29+$0xBE80], $0xffff;
	v38 =	vmul.f32 v50, v51;
	v37 =	vadd.f32 v54, v37  }
0x1e7: {  	v58 =	vld [tilespmem:s2+$0x800]  }
0x1e8: {  	v59 =	vmul.f32 v52, v53;
	v60 =	vld.idx.msk [tilespmem:v36+s29+$0xC080], $0xffff;
	v37 =	vadd.f32 v38, v37  }
0x1e9: {  	v61 =	vld [tilespmem:s2+$0xC00]  }
0x1ea: {  	v62 =	vmul.f32 v55, v56;
	v37 =	vadd.f32 v59, v37;
	_ =	sdelay $0x1  }
0x1eb: {  	v40 =	vmul.f32 v57, v58;
	v38 =	vadd.f32 v62, v37  }
0x1ec: {  	v37 =	vadd.s32 v35, v39  }
0x1ed: {  	v63 =	vmul.f32 v60, v61;
	v38 =	vadd.f32 v40, v38;
	_ =	sdelay $0x1  }
0x1ee: {  	v38 =	vadd.f32 v63, v38  }
0x1ef: {  	s3 =	simm.s32 $0xE280  }
0x1f0: {  	s6 =	simm.s32 $0x40;
	s5 =	simm.s32 $0x8;
	[tilespmem:v37+s3+$0x0] =	vst.idx.msk $0xffff, v38  }
.LBB2_9:
0x1f1: {  	p0 =	sne.s32 s6, $0x7E0;
	v38 =	vld.idx.msk [tilespmem:v36+s5+$0xB280], $0xffff;
	s2 =	sadd.s32 $0x10, s2  }
0x1f2: {  	v39 =	vld [tilespmem:s2+$0xFFFFF000]  }
0x1f3: {  	v40 =	vld.idx.msk [tilespmem:v36+s5+$0xB480], $0xffff  }
0x1f4: {  	v41 =	vld [tilespmem:s2+$0xFFFFF400]  }
0x1f5: {  	v42 =	vld.idx.msk [tilespmem:v36+s5+$0xB680], $0xffff  }
0x1f6: {  	v43 =	vld [tilespmem:s2+$0xFFFFF800]  }
0x1f7: {  	v38 =	vmul.f32 v38, v39;
	v39 =	vld.idx.msk [tilespmem:v36+s5+$0xB880], $0xffff  }
0x1f8: {  	v44 =	vld [tilespmem:s2+$0xFFFFFC00]  }
0x1f9: {  	v38 =	vadd.f32 $0.0e+00, v38;
	v40 =	vmul.f32 v40, v41;
	v41 =	vld.idx.msk [tilespmem:v36+s5+$0xBA80], $0xffff  }
0x1fa: {  	v45 =	vld [tilespmem:s2+$0x0]  }
0x1fb: {  	v38 =	vadd.f32 v40, v38;
	v40 =	vmul.f32 v42, v43;
	v42 =	vld.idx.msk [tilespmem:v36+s5+$0xBC80], $0xffff  }
0x1fc: {  	v43 =	vld [tilespmem:s2+$0x400]  }
0x1fd: {  	v38 =	vadd.f32 v40, v38;
	v39 =	vmul.f32 v39, v44;
	v40 =	vld.idx.msk [tilespmem:v36+s5+$0xBE80], $0xffff  }
0x1fe: {  	v44 =	vld [tilespmem:s2+$0x800]  }
0x1ff: {  	v38 =	vadd.f32 v39, v38;
	v39 =	vmul.f32 v41, v45;
	v41 =	vld.idx.msk [tilespmem:v36+s5+$0xC080], $0xffff  }
0x200: {  	v45 =	vld [tilespmem:s2+$0xC00]  }
0x201: {  	v38 =	vadd.f32 v39, v38;
	v39 =	vmul.f32 v42, v43;
	_ =	sdelay $0x1  }
0x202: {  	v38 =	vadd.f32 v39, v38;
	v39 =	vmul.f32 v40, v44;
	_ =	sdelay $0x1  }
.Ltmp3:
0x203: {  	v38 =	vadd.f32 v39, v38;
	v39 =	vmul.f32 v41, v45;
	(pc) =	sbr.rel @p0 .LBB2_9-.Ltmp3, $4  }
0x204: {  	_ = 	snop  }
0x205: {  	v38 =	vadd.f32 v39, v38  }
0x206: {  	s3 =	sadd.s32 $0x3B0, s3  }
0x207: {  	s5 =	sshra.s32 s6, $0x2;
	s6 =	sadd.s32 $0x20, s6;
	[tilespmem:v37+s3+$0x0] =	vst.idx.msk $0xffff, v38  }
0x208: {  	_ =	sdelay $0x3  }
0x209: {  	v38 =	vld.idx.msk [tilespmem:v36+s5+$0xB280], $0xffff;
	s2 =	sadd.s32 $0x10, s2  }
0x20a: {  	v39 =	vld [tilespmem:s2+$0xFFFFF000]  }
0x20b: {  	v40 =	vld.idx.msk [tilespmem:v36+s5+$0xB480], $0xffff  }
0x20c: {  	v41 =	vld [tilespmem:s2+$0xFFFFF400]  }
0x20d: {  	v42 =	vld.idx.msk [tilespmem:v36+s5+$0xB680], $0xffff  }
0x20e: {  	v43 =	vld [tilespmem:s2+$0xFFFFF800]  }
0x20f: {  	v51 =	vld.idx.msk [tilespmem:v36+s5+$0xB880], $0xffff;
	v38 =	vmul.f32 v38, v39  }
0x210: {  	v44 =	vld [tilespmem:s2+$0xFFFFFC00]  }
0x211: {  	v52 =	vld.idx.msk [tilespmem:v36+s5+$0xBA80], $0xffff;
	v40 =	vmul.f32 v40, v41;
	v38 =	vadd.f32 $0.0e+00, v38  }
0x212: {  	v45 =	vld [tilespmem:s2+$0x0]  }
0x213: {  	v54 =	vld.idx.msk [tilespmem:v36+s5+$0xBC80], $0xffff;
	v53 =	vmul.f32 v42, v43;
	v38 =	vadd.f32 v40, v38  }
0x214: {  	v55 =	vld [tilespmem:s2+$0x400]  }
0x215: {  	v56 =	vld.idx.msk [tilespmem:v36+s5+$0xBE80], $0xffff;
	v39 =	vmul.f32 v51, v44;
	v38 =	vadd.f32 v53, v38  }
0x216: {  	v57 =	vld [tilespmem:s2+$0x800]  }
0x217: {  	v59 =	vld.idx.msk [tilespmem:v36+s5+$0xC080], $0xffff;
	v58 =	vmul.f32 v52, v45;
	v38 =	vadd.f32 v39, v38  }
0x218: {  	v60 =	vld [tilespmem:s2+$0xC00]  }
0x219: {  	v61 =	vmul.f32 v54, v55;
	v38 =	vadd.f32 v58, v38;
	_ =	sdelay $0x1  }
0x21a: {  	s31 =	sadd.s32 $0x1, s31;
	v62 =	vmul.f32 v56, v57;
	v38 =	vadd.f32 v61, v38  }
0x21b: {  	p0 =	sne.s32 s31, $0x18  }
.Ltmp4:
0x21c: {  	v63 =	vmul.f32 v59, v60;
	v38 =	vadd.f32 v62, v38;
	(pc) =	sbr.rel @p0 .LBB2_6-.Ltmp4, $4  }
0x21d: {  	_ = 	snop  }
0x21e: {  	v38 =	vadd.f32 v63, v38  }
0x21f: {  	s29 =	sadd.s32 $0x3B0, s3  }
0x220: {  	s2 =	simm.s32 $0x0;
	[tilespmem:v37+s29+$0x0] =	vst.idx.msk $0xffff, v38  }
.LBB2_11:
0x221: {  	s5 =	sshll.u32 s2, $0x4;
	s3 =	simm.s32 $0x0  }
0x222: {  	s6 =	sand.u32 $0x1F0, s5;
	v37 =	vld [tilespmem:s3+$0x600]  }
0x223: {  	v40 =	vld [tilespmem:s6+$0x8B80];
	_ =	sdelay $0x4  }
0x224: {  	v41 =	vmul.f32 v37, v40;
	_ =	sdelay $0x1  }
0x225: {  	v37 =	vsub.f32 v41, v33;
	_ =	sdelay $0x1  }
0x226: {  	v37 =	vtrunc.f32 v37  }
0x227: {  	v38 =	vtrunc.f32 v41;
	v37 =	vcvt.f32.s32 v37  }
0x228: {  	v39 =	vcvt.f32.s32 v38  }
0x229: {  	vm0 =	vlt.f32 v41, $2.147483650e+09;
	v37 =	vxor.u32 $0x80000000, v37  }
0x22a: {  	v38 =	vld [tilespmem:s6+$0x8E80];
	v37 =	vsel vm0, v39, v37  }
0x22b: {  	v39 =	vshrl.u32 v37, $0x10;
	v42 =	vmul.u32 $0x9E3779B1, v37;
	v43 =	vmul.u32 $0x6F362, v37  }
0x22c: {  	v37 =	vand.u32 $0xFFFF, v37;
	v39 =	vcvt.s32.f32 v39  }
0x22d: {  	v44 =	vadd.s32 $0x379B1, v42;
	v43 =	vand.u32 $0x7FF00, v43;
	v42 =	vand.u32 $0x7F, v42  }
0x22e: {  	v45 =	vcvt.s32.f32 v37;
	v46 =	vmul.f32 $6.553600000e+04, v39;
	v42 =	vor.u32 v42, v43  }
0x22f: {  	s5 =	sand.u32 $0x3FFFFFF0, s5;
	v39 =	vadd.s32 $0x80, v38;
	v47 =	vshll.u32 v44, $0x1;
	v44 =	vand.u32 $0x7F, v44  }
0x230: {  	v37 =	vld [tilespmem:s5+$0x9130];
	s5 =	simm.s32 $0x9680;
	v43 =	vadd.s32 v38, v42;
	v62 =	vand.u32 $0x7FF00, v47;
	v42 =	vadd.s32 v39, v42  }
0x231: {  	v45 =	vadd.f32 v45, v46;
	v44 =	vor.u32 v44, v62;
	[tilespmem:v32+s5+$0xFFFFFC00] =	vst.idx.msk $0xffff, v43  }
0x232: {  	v63 =	vadd.s32 v38, v44;
	[tilespmem:v34+s5+$0xFFFFFC00] =	vst.idx.msk $0xffff, v42  }
0x233: {  	s7 =	simm.s32 $0x80;
	s6 =	simm.s32 $0x40;
	v42 =	vadd.s32 v39, v44;
	v41 =	vsub.f32 v41, v45;
	[tilespmem:v32+s5+$0x0] =	vst.idx.msk $0xffff, v63  }
.LBB2_12:
0x234: {  	s9 =	sshra.s32 s6, $0x2  }
0x235: {  	[tilespmem:v34+s5+$0x0] =	vst.idx.msk $0xffff, v42;
	s5 =	sadd.s32 $0x20, s5;
	s6 =	smov.u32 s7;
	s18 =	sadd.s32 $0x40, s7  }
0x236: {  	p0 =	sne.s32 s7, $0x7C0;
	v42 =	vld [tilespmem:s9+$0x600];
	[tilespmem:s3+$0xB280] =	vst v41;
	s3 =	smov.u32 s9;
	_ =	sdelay $0x4  }
0x237: {  	v41 =	vmul.f32 v42, v40;
	_ =	sdelay $0x1  }
0x238: {  	v42 =	vtrunc.f32 v41;
	v43 =	vsub.f32 v41, v33;
	_ =	sdelay $0x1  }
0x239: {  	v43 =	vtrunc.f32 v43  }
0x23a: {  	v43 =	vcvt.f32.s32 v43  }
0x23b: {  	v42 =	vcvt.f32.s32 v42  }
0x23c: {  	vm0 =	vlt.f32 v41, $2.147483650e+09;
	v43 =	vxor.u32 $0x80000000, v43  }
0x23d: {  	v42 =	vsel vm0, v42, v43  }
0x23e: {  	v43 =	vshrl.u32 v42, $0x10;
	v44 =	vmul.u32 $0x9E3779B1, v42;
	v45 =	vmul.u32 $0x6F362, v42  }
0x23f: {  	v42 =	vand.u32 $0xFFFF, v42;
	v43 =	vcvt.s32.f32 v43  }
0x240: {  	v46 =	vadd.s32 $0x379B1, v44;
	v45 =	vand.u32 $0x7FF00, v45;
	v44 =	vand.u32 $0x7F, v44  }
0x241: {  	v42 =	vcvt.s32.f32 v42;
	v43 =	vmul.f32 $6.553600000e+04, v43;
	v44 =	vor.u32 v44, v45  }
.Ltmp5:
0x242: {  	v47 =	vshll.u32 v46, $0x1;
	v45 =	vadd.s32 v38, v44;
	(pc) =	sbr.rel @p0 .LBB2_12-.Ltmp5, $4  }
0x243: {  	v46 =	vand.u32 $0x7F, v46;
	v42 =	vadd.f32 v42, v43;
	v43 =	vand.u32 $0x7FF00, v47  }
0x244: {  	v44 =	vadd.s32 v39, v44;
	v43 =	vor.u32 v46, v43;
	[tilespmem:v32+s5+$0xFFFFFC00] =	vst.idx.msk $0xffff, v45  }
0x245: {  	v41 =	vsub.f32 v41, v42;
	v42 =	vadd.s32 v38, v43;
	[tilespmem:v34+s5+$0xFFFFFC00] =	vst.idx.msk $0xffff, v44  }
0x246: {  	s7 =	smov.u32 s18;
	[tilespmem:v32+s5+$0x0] =	vst.idx.msk $0xffff, v42;
	v42 =	vadd.s32 v39, v43  }
0x247: {  	_ =	sdelay $0x3  }
0x248: {  	s6 =	sshra.s32 s6, $0x2;
	[tilespmem:v34+s5+$0x0] =	vst.idx.msk $0xffff, v42  }
0x249: {  	v42 =	vld [tilespmem:s6+$0x600];
	_ =	sdelay $0x4  }
0x24a: {  	v40 =	vmul.f32 v42, v40;
	_ =	sdelay $0x1  }
0x24b: {  	v42 =	vsub.f32 v40, v33;
	_ =	sdelay $0x1  }
0x24c: {  	v42 =	vtrunc.f32 v42  }
0x24d: {  	v43 =	vtrunc.f32 v40;
	v42 =	vcvt.f32.s32 v42  }
0x24e: {  	v43 =	vcvt.f32.s32 v43  }
0x24f: {  	vm0 =	vlt.f32 v40, $2.147483650e+09;
	v42 =	vxor.u32 $0x80000000, v42  }
0x250: {  	v42 =	vsel vm0, v43, v42  }
0x251: {  	v43 =	vshrl.u32 v42, $0x10;
	v44 =	vmul.u32 $0x9E3779B1, v42  }
0x252: {  	v45 =	vmul.u32 $0x6F362, v42;
	v42 =	vand.u32 $0xFFFF, v42;
	v43 =	vcvt.s32.f32 v43  }
0x253: {  	v42 =	vcvt.s32.f32 v42;
	v46 =	vadd.s32 $0x379B1, v44  }
0x254: {  	v45 =	vand.u32 $0x7FF00, v45;
	v44 =	vand.u32 $0x7F, v44;
	v43 =	vmul.f32 $6.553600000e+04, v43  }
0x255: {  	v44 =	vor.u32 v44, v45;
	v47 =	vshll.u32 v46, $0x1;
	v56 =	vand.u32 $0x7F, v46  }
0x256: {  	s21 =	sadd.s32 $0x20, s5;
	[tilespmem:s3+$0xB280] =	vst v41;
	v45 =	vadd.s32 v38, v44;
	v55 =	vand.u32 $0x7FF00, v47;
	v57 =	vadd.s32 v39, v44  }
0x257: {  	v54 =	vadd.f32 v42, v43;
	v42 =	vor.u32 v56, v55;
	[tilespmem:v32+s21+$0xFFFFFC00] =	vst.idx.msk $0xffff, v45  }
0x258: {  	v58 =	vadd.s32 v38, v42;
	[tilespmem:v34+s21+$0xFFFFFC00] =	vst.idx.msk $0xffff, v57  }
0x259: {  	v59 =	vadd.s32 v39, v42;
	v40 =	vsub.f32 v40, v54;
	[tilespmem:v32+s21+$0x0] =	vst.idx.msk $0xffff, v58  }
0x25a: {  	[tilespmem:v34+s21+$0x0] =	vst.idx.msk $0xffff, v59  }
0x25b: {  	s3 =	simm.s32 $0xC280;
	[tilespmem:s6+$0xB280] =	vst v40  }
0x25c: {  	[tilespmem:s3], [sflag:$0x1] =	stream.indirect.gather [hbm4b:s1+s28], $0x1, s25, s28, $0xb8;
	[tilespmem:$0x1CE80] =	vst v63  }
0x25d: {  	_ =	swait.ge [sflag:s17], $0x800  }
0x25e: {  	[sflag:s17] =	ssyncset.done $0x0  }
0x25f: {  	s22 =	simm.s32 $0xB280;
	[sflag:s17] =	ssyncadd.s32 $0xFFFFF800  }
0x260: {  	s29 =	simm.s32 $0x0;
	v60 =	vld.idx.msk [tilespmem:v36+s22+$0x0], $0xffff  }
0x261: {  	s31 =	sand.u32 $0x3F0, s29;
	v61 =	vld [tilespmem:s3+$0x0]  }
0x262: {  	v62 =	vld [tilespmem:s31+$0xC680];
	_ =	sdelay $0x2  }
0x263: {  	v63 =	vsub.f32 $1.000000000e+00, v60  }
0x264: {  	v37 =	vadd.s32 v35, v37  }
0x265: {  	v38 =	vmul.f32 v62, v60;
	v39 =	vmul.f32 v63, v61;
	_ =	sdelay $0x1  }
0x266: {  	v38 =	vadd.f32 v38, v39  }
0x267: {  	s5 =	simm.s32 $0xE280  }
0x268: {  	s7 =	simm.s32 $0xB288;
	[tilespmem:v37+s5+$0x0] =	vst.idx.msk $0xffff, v38  }
0x269: {  	s18 =	simm.s32 $0x20;
	s6 =	simm.s32 $0x10;
	v38 =	vld.idx.msk [tilespmem:v36+s7+$0x0], $0xffff  }
.LBB2_14:
0x26a: {  	p0 =	sne.s32 s18, $0x3F0;
	s3 =	sadd.s32 $0x10, s3  }
0x26b: {  	s9 =	sand.u32 $0x3F0, s6;
	s6 =	smov.u32 s18;
	v39 =	vld [tilespmem:s3+$0x0]  }
0x26c: {  	v40 =	vld [tilespmem:s9+$0xC680];
	_ =	sdelay $0x2  }
0x26d: {  	v41 =	vsub.f32 $1.000000000e+00, v38;
	_ =	sdelay $0x1  }
0x26e: {  	v39 =	vmul.f32 v41, v39;
	v38 =	vmul.f32 v40, v38  }
.Ltmp6:
0x26f: {  	(pc) =	sbr.rel @p0 .LBB2_14-.Ltmp6, $4  }
0x270: {  	v38 =	vadd.f32 v38, v39  }
0x271: {  	s5 =	sadd.s32 $0x3B0, s5  }
0x272: {  	s7 =	sadd.s32 $0x8, s7;
	[tilespmem:v37+s5+$0x0] =	vst.idx.msk $0xffff, v38  }
0x273: {  	s18 =	sadd.s32 $0x10, s18;
	v38 =	vld.idx.msk [tilespmem:v36+s7+$0x0], $0xffff  }
0x274: {  	s3 =	sadd.s32 $0x10, s3  }
0x275: {  	s29 =	sand.u32 $0x3F0, s6;
	v39 =	vld [tilespmem:s3+$0x0]  }
0x276: {  	v40 =	vld [tilespmem:s29+$0xC680];
	_ =	sdelay $0x2  }
0x277: {  	s2 =	sadd.s32 $0x1, s2;
	v41 =	vsub.f32 $1.000000000e+00, v38  }
0x278: {  	p0 =	sne.s32 s2, $0x13  }
.Ltmp7:
0x279: {  	v39 =	vmul.f32 v41, v39;
	v63 =	vmul.f32 v40, v38;
	(pc) =	sbr.rel @p0 .LBB2_11-.Ltmp7, $4  }
0x27a: {  	_ = 	snop  }
0x27b: {  	v38 =	vadd.f32 v63, v39  }
0x27c: {  	s31 =	sadd.s32 $0x3B0, s5  }
0x27d: {  	[tilespmem:v37+s31+$0x0] =	vst.idx.msk $0xffff, v38  }
0x27e: {  	s30 =	sadd.s32 $0x1, s30  }
0x27f: {  	p0 =	sne.s32 s30, s14  }
.Ltmp8:
0x280: {  	s2 =	simm.s32 $0xE280;
	(pc) =	sbr.rel @p0 .LBB2_1-.Ltmp8, $4  }
0x281: {  	[hbm4b:s13+s4] =	stream.linear.scatter [tilespmem:s2], [sflag:$0x1], $0xEC00, $0x38;
	[tilespmem:$0x1CE80] =	vst v63  }
0x282: {  	_ =	swait.ge [sflag:s17], $0xEC00  }
0x283: {  	[sflag:s17] =	ssyncset.done $0x0  }
0x284: {  	[sflag:s17] =	ssyncadd.s32 $0xFFFF1400  }
0x285: {  	_ =	sfence.sel $0x180000  }
0x286: {  	[bflag:$0x0] =	sbarrier.arrive $0xFFFF  }
0x287: {  	_ =	strace $0x90000047  }
0x288: {  	s0 =	stileid.u32;
	[bflag:$0x2] =	sbarrier.arrive $0xFFFF  }
0x289: {  	p0 =	sne.s32 s0, $0x0;
	s0 =	rddreg [dreg:$0x6]  }
0x28a: {  	s0 =	sadd.s32 @!p0 $0x100000, s0  }
0x28b: {  	[sflag:s0] =	ssyncadd.tile.s32 @!p0 $0x1;
	_ =	shalt  }
.Lfunc_end2:
_tile_overlayer_lowered:
.L_overlay_start_2:
0x28c: {  	(tag) =	ssettag $0x2  }
0x28d: {  	s0 =	rddreg [dreg:$0x0];
	s2 =	stileid.u32  }
0x28e: {  	s1 =	rddreg [dreg:$0x1];
	p0 =	sne.s32 s2, $0x0  }
0x28f: {  	s3 =	rddreg [dreg:$0x2];
	[bflag:$0x3] =	sbarrier.arrive $0xFFFF;
	s2 =	simm.s32 @!p0 $0x1C01  }
0x290: {  	[timem:s3], [sflag:s2] =	dma.local @!p0 [hbm:s0], s1  }
0x291: {  	s0 =	simm.s32 @!p0 $0x1  }
0x292: {  	_ =	swait.ge @!p0 [sflag:s0], s1  }
0x293: {  	s1 =	ssub.s32 @!p0 $0x0, s1;
	[sflag:s0] =	ssyncset.done @!p0 $0x0  }
0x294: {  	[sflag:s0] =	ssyncadd.s32 @!p0 s1  }
0x295: {  	[bflag:$0x3] =	sbarrier.arrive $0xFFFF  }
0x296: {  	_ =	shalt  }

</sc_bundles>
